<compile_context>
chip_gen: v7x
topology: tpu7x:2x2x1
jax: 0.10.2.dev20260603
libtpu: 0.0.44.dev20260713+nightly
codegen_flags: <defaults>
</compile_context>

<pallas_src>
import functools

import jax
import jax.numpy as jnp
from jax import lax
from jax.experimental import pallas as pl
from jax.experimental.pallas import tpu as pltpu
from jax.experimental.pallas import tpu_sc as plsc

N = 8192
D = 512
H = 256
K = 8

ROW_BLK = 256


def _feat_kernel(x_ref, w_ref, b_ref, hn_ref, hnt_ref):
    h = lax.dot_general(
        x_ref[...], w_ref[...], (((1,), (0,)), ((), ())),
        preferred_element_type=jnp.float32,
        precision=lax.Precision.DEFAULT,
    )
    h = h + b_ref[...]
    h = jnp.where(h >= 0, h, 0.01 * h)
    ssq = jnp.sum(h * h, axis=1, keepdims=True)
    hn = h / (jnp.sqrt(ssq) + 1e-8)
    hn_ref[...] = hn
    hnt_ref[...] = hn.T


def _topk_kernel(a_ref, ht_ref, nbr_ref):
    a = a_ref[...]
    s = jnp.concatenate(
        [
            lax.dot_general(
                a, ht_ref[:, c * 512:(c + 1) * 512], (((1,), (0,)), ((), ())),
                preferred_element_type=jnp.float32,
                precision=lax.Precision.DEFAULT,
            )
            for c in range(N // 512)
        ],
        axis=1,
    )
    iota_row = lax.broadcasted_iota(jnp.int32, (ROW_BLK, N), 1)
    idxs = []
    for t in range(K):
        idx = jnp.argmax(s, axis=1, keepdims=True)
        idxs.append(idx)
        if t < K - 1:
            s = jnp.where(iota_row == idx, -jnp.inf, s)
    nbr_ref[...] = jnp.concatenate(idxs, axis=1).astype(jnp.int32)


def _features(x, W1, b1):
    return pl.pallas_call(
        _feat_kernel,
        grid=(N // 512,),
        in_specs=[
            pl.BlockSpec((512, D), lambda i: (i, 0)),
            pl.BlockSpec((D, H), lambda i: (0, 0)),
            pl.BlockSpec((1, H), lambda i: (0, 0)),
        ],
        out_specs=[
            pl.BlockSpec((512, H), lambda i: (i, 0)),
            pl.BlockSpec((H, 512), lambda i: (0, i)),
        ],
        out_shape=[
            jax.ShapeDtypeStruct((N, H), jnp.float32),
            jax.ShapeDtypeStruct((H, N), jnp.float32),
        ],
    )(x, W1, b1.reshape(1, H))


def _topk_rows(hn_rows, hnt):
    n_rows = hn_rows.shape[0]
    return pl.pallas_call(
        _topk_kernel,
        grid=(n_rows // ROW_BLK,),
        in_specs=[
            pl.BlockSpec((ROW_BLK, H), lambda i: (i, 0)),
            pl.BlockSpec((H, N), lambda i: (0, 0)),
        ],
        out_specs=pl.BlockSpec((ROW_BLK, K), lambda i: (i, 0)),
        out_shape=jax.ShapeDtypeStruct((n_rows, K), jnp.int32),
    )(hn_rows, hnt)


def _make_gather_mean(n_q):
    info = plsc.get_sparse_core_info()
    nw = info.num_cores * info.num_subcores
    q_per_w = n_q // nw
    qc = 8
    rows_per_chunk = qc * K
    n_chunks = q_per_w // qc
    mesh = plsc.VectorSubcoreMesh(core_axis_name="c", subcore_axis_name="s")

    @functools.partial(
        pl.kernel,
        mesh=mesh,
        out_type=jax.ShapeDtypeStruct((n_q, D), jnp.float32),
        scratch_types=[
            pltpu.VMEM((rows_per_chunk,), jnp.int32),
            pltpu.VMEM((rows_per_chunk, D), jnp.float32),
            pltpu.VMEM((qc, D), jnp.float32),
            pltpu.SemaphoreType.DMA,
        ],
    )
    def gather_mean(x_hbm, idx_hbm, out_hbm, idx_v, rows_v, acc_v, sem):
        wid = lax.axis_index("s") * info.num_cores + lax.axis_index("c")
        qbase = wid * q_per_w

        def chunk_body(c, _):
            pltpu.sync_copy(
                idx_hbm.at[pl.ds((qbase + c * qc) * K, rows_per_chunk)], idx_v)
            pltpu.async_copy(x_hbm.at[idx_v], rows_v, sem).wait()

            def q_body(q, _):
                def g_body(g, _):
                    col = pl.ds(g * 16, 16)
                    acc = rows_v[q * K, col]
                    for r in range(1, K):
                        acc = acc + rows_v[q * K + r, col]
                    acc_v[q, col] = acc * 0.125
                    return 0
                return lax.fori_loop(0, D // 16, g_body, 0)

            lax.fori_loop(0, qc, q_body, 0)
            pltpu.sync_copy(acc_v, out_hbm.at[pl.ds(qbase + c * qc, qc)])
            return 0

        lax.fori_loop(0, n_chunks, chunk_body, 0)

    return gather_mean


def kernel(x, W1, b1):
    hn, hnt = _features(x, W1, b1)
    half = N // 2
    gather = _make_gather_mean(half)
    nbr0 = _topk_rows(hn[:half], hnt)
    ea0 = gather(x, nbr0.reshape(-1))
    nbr1 = _topk_rows(hn[half:], hnt)
    ea1 = gather(x, nbr1.reshape(-1))
    row = jnp.concatenate([nbr0.reshape(-1), nbr1.reshape(-1)])
    edge_attr = jnp.concatenate([ea0, ea1], axis=0)
    col = jnp.repeat(jnp.arange(N, dtype=jnp.int32), K)
    edge_index = jnp.stack([row, col], axis=0)
    return (x, edge_index, edge_attr)

# --- scband reference (transcript-rebuilt; emitter-appended) ---
"""Pipeline reference for scband-dsl-19791209300140 (READ-ONLY COPY).

The authoritative reference and input builder live on the scoring server;
editing this copy changes nothing except your own understanding.
"""

import jax, jax.numpy as jnp
import numpy as np

K_NEIGHBORS = 8


def setup_inputs(seed: int = 0) -> dict:
    key = jax.random.key(seed)
    k1, k2 = jax.random.split(key, 2)
    N, D = 8192, 512
    x = jax.random.normal(k1, (N, D), dtype=jnp.float32)
    # fc: Linear(feat_dim, feat_dim // 2) followed by LeakyReLU
    W1 = jax.random.normal(k2, (D, D // 2), dtype=jnp.float32) * (1.0 / np.sqrt(D))
    b1 = jnp.zeros((D // 2,), dtype=jnp.float32)
    return {"x": x, "W1": W1, "b1": b1}


def reference(x, W1, b1):
    k = K_NEIGHBORS
    N = x.shape[0]
    # _x = self.fc(x)  -> Linear + LeakyReLU(negative_slope=0.01)
    h = x @ W1 + b1
    h = jnp.where(h >= 0, h, 0.01 * h)
    # torch_cluster.knn(x, x, k, cosine=True): k nearest neighbors by cosine
    # similarity (single batch). Self-matches are included.
    hn = h / (jnp.linalg.norm(h, axis=1, keepdims=True) + 1e-8)
    sim = hn @ hn.T  # [N, N] cosine similarity, compute-dominant
    _, nbr = jax.lax.top_k(sim, k)  # [N, k] neighbor indices per query
    # torch_cluster returns (query_idx, neighbor_idx); code swaps to
    # row=neighbor (source), col=query (destination)
    row = nbr.reshape(-1).astype(jnp.int64)           # edge_index[0]: source
    col = jnp.repeat(jnp.arange(N, dtype=jnp.int64), k)  # edge_index[1]: dst
    edge_index = jnp.stack([row, col], axis=0)
    # edge_attr = scatter_mean(x[edge_index[0]], edge_index[1], dim=0)
    gathered = jnp.take(x, row, axis=0)
    seg_sum = jax.ops.segment_sum(gathered, col, num_segments=N)
    cnt = jax.ops.segment_sum(jnp.ones((row.shape[0],), dtype=jnp.float32), col, num_segments=N)
    edge_attr = seg_sum / jnp.maximum(cnt, 1.0)[:, None]
    return (x, edge_index, edge_attr)

if __name__ == "__main__":
    import jax
    _d = setup_inputs()
    print(jax.jit(kernel)(*tuple(_d.values())))

</pallas_src>

<mosaic_0001>
#map = affine_map<(d0, d1) -> (0, 0)>
#map1 = affine_map<(d0, d1) -> (0)>
module attributes {stable_mosaic.version = 14 : i64} {
  func.func @gather_mean(%arg0: i32, %arg1: i32, %arg2: memref<8192x512xf32, #tpu.memory_space<hbm>>, %arg3: memref<32768xi32, #tpu.memory_space<hbm>>, %arg4: memref<4096x512xf32, #tpu.memory_space<hbm>>, %arg5: memref<64xi32, #tpu.memory_space<vmem>>, %arg6: memref<64x512xf32, #tpu.memory_space<vmem>>, %arg7: memref<8x512xf32, #tpu.memory_space<vmem>>, %arg8: memref<!tpu.dma_semaphore, #tpu.memory_space<semaphore_mem>>) attributes {dimension_semantics = [#tpu.dimension_semantics<core_parallel>, #tpu.dimension_semantics<subcore_parallel>], iteration_bounds = array<i64: 2, 16>, scalar_prefetch = 0 : i64, scratch_operands = 4 : i64, tpu.core_type = #tpu.core_type<sc_vector_subcore>, window_params = [{transform_indices = #map}, {transform_indices = #map1}, {transform_indices = #map}]} {
    %mul3A = arith.constant 2 : i32
    %mul3A_0 = arith.muli %arg1, %mul3A : i32
    %add3A = arith.addi %mul3A_0, %arg0 : i32
    %mul3A_1 = arith.constant 128 : i32
    %mul3A_2 = arith.muli %add3A, %mul3A_1 : i32
    %scan3A = arith.constant 0 : i32
    %scan3A_3 = arith.constant 0 : i32
    %scan3A_4 = arith.constant 16 : i32
    %scan3A_5 = arith.addi %scan3A_3, %scan3A_4 : i32
    %scan3A_6 = arith.constant 1 : i32
    %scan3A_7 = scf.for %scan3A_9 = %scan3A_3 to %scan3A_5 step %scan3A_6 iter_args(%scan3A_10 = %scan3A) -> (i32)  : i32 {
      %mul3A_11 = arith.constant 8 : i32
      %mul3A_12 = arith.muli %scan3A_9, %mul3A_11 : i32
      %add3A_13 = arith.addi %mul3A_2, %mul3A_12 : i32
      %mul3A_14 = arith.constant 8 : i32
      %mul3A_15 = arith.muli %add3A_13, %mul3A_14 : i32
      "tpu.region"() ({
        %run_scoped3A = tpu.sem_alloc : memref<!tpu.dma_semaphore, #tpu.memory_space<semaphore_mem>>
        %dma_start3A_31 = tpu.memref_slice %arg3[%mul3A_15] : memref<32768xi32, #tpu.memory_space<hbm>> -> memref<64xi32, #tpu.memory_space<hbm>>
        %dma_start3A_32 = tpu.memref_slice %arg3[%mul3A_15] : memref<32768xi32, #tpu.memory_space<hbm>> -> memref<64xi32, #tpu.memory_space<hbm>>
        tpu.enqueue_dma source(%dma_start3A_32 : memref<64xi32, #tpu.memory_space<hbm>>) target(%arg5 : memref<64xi32, #tpu.memory_space<vmem>>) target_semaphore(%run_scoped3A : memref<!tpu.dma_semaphore, #tpu.memory_space<semaphore_mem>>)
        %dma_wait3A_33 = tpu.memref_slice %arg3[%mul3A_15] : memref<32768xi32, #tpu.memory_space<hbm>> -> memref<64xi32, #tpu.memory_space<hbm>>
        %dma_wait3A_34 = tpu.memref_slice %arg3[%mul3A_15] : memref<32768xi32, #tpu.memory_space<hbm>> -> memref<64xi32, #tpu.memory_space<hbm>>
        tpu.wait_dma2 semaphore(%run_scoped3A : memref<!tpu.dma_semaphore, #tpu.memory_space<semaphore_mem>>) src(%dma_wait3A_34 : memref<64xi32, #tpu.memory_space<hbm>>) dst(%arg5 : memref<64xi32, #tpu.memory_space<vmem>>)
        tpu.yield
      }) : () -> ()
      %dma_start3A = arith.constant 0 : i32
      %dma_start3A_16 = arith.constant 0 : i32
      %dma_start3A_17 = tpu.memref_slice %arg2[%dma_start3A, %dma_start3A_16] : memref<8192x512xf32, #tpu.memory_space<hbm>> -> memref<8192x512xf32, #tpu.memory_space<hbm>>
      tpu.enqueue_indirect_dma source(%dma_start3A_17 : memref<8192x512xf32, #tpu.memory_space<hbm>>) target(%arg6 : memref<64x512xf32, #tpu.memory_space<vmem>>) offsets(%arg5 : memref<64xi32, #tpu.memory_space<vmem>>) semaphore(%arg8 : memref<!tpu.dma_semaphore, #tpu.memory_space<semaphore_mem>>)
      %dma_wait3A = arith.constant 0 : i32
      %dma_wait3A_18 = arith.constant 0 : i32
      %dma_wait3A_19 = tpu.memref_slice %arg2[%dma_wait3A, %dma_wait3A_18] : memref<8192x512xf32, #tpu.memory_space<hbm>> -> memref<8192x512xf32, #tpu.memory_space<hbm>>
      tpu.wait_indirect_dma semaphore(%arg8 : memref<!tpu.dma_semaphore, #tpu.memory_space<semaphore_mem>>) src(%dma_wait3A_19 : memref<8192x512xf32, #tpu.memory_space<hbm>>) dst(%arg6 : memref<64x512xf32, #tpu.memory_space<vmem>>)
      %scan3A_20 = arith.constant 0 : i32
      %scan3A_21 = arith.constant 0 : i32
      %scan3A_22 = arith.constant 8 : i32
      %scan3A_23 = arith.addi %scan3A_21, %scan3A_22 : i32
      %scan3A_24 = arith.constant 1 : i32
      %scan3A_25 = scf.for %scan3A_31 = %scan3A_21 to %scan3A_23 step %scan3A_24 iter_args(%scan3A_32 = %scan3A_20) -> (i32)  : i32 {
        %scan3A_33 = arith.constant 0 : i32
        %scan3A_34 = arith.constant 0 : i32
        %scan3A_35 = arith.constant 32 : i32
        %scan3A_36 = arith.addi %scan3A_34, %scan3A_35 : i32
        %scan3A_37 = arith.constant 1 : i32
        %scan3A_38 = scf.for %scan3A_40 = %scan3A_34 to %scan3A_36 step %scan3A_37 iter_args(%scan3A_41 = %scan3A_33) -> (i32)  : i32 {
          %mul3A_42 = arith.constant 16 : i32
          %mul3A_43 = arith.muli %scan3A_40, %mul3A_42 : i32
          %mul3A_44 = arith.constant 8 : i32
          %mul3A_45 = arith.muli %scan3A_31, %mul3A_44 : i32
          %get3A = arith.index_cast %mul3A_45 : i32 to index
          %get3A_46 = arith.index_cast %mul3A_43 : i32 to index
          %get3A_47 = tpu.vector_load %arg6[%get3A, %get3A_46] {strides = array<i32>} : memref<64x512xf32, #tpu.memory_space<vmem>>, vector<1x16xf32>,
          %get3A_48 = vector.shape_cast %get3A_47 : vector<1x16xf32> to vector<16xf32>
          %mul3A_49 = arith.constant 8 : i32
          %mul3A_50 = arith.muli %scan3A_31, %mul3A_49 : i32
          %add3A_51 = arith.constant 1 : i32
          %add3A_52 = arith.addi %mul3A_50, %add3A_51 : i32
          %get3A_53 = arith.index_cast %add3A_52 : i32 to index
          %get3A_54 = arith.index_cast %mul3A_43 : i32 to index
          %get3A_55 = tpu.vector_load %arg6[%get3A_53, %get3A_54] {strides = array<i32>} : memref<64x512xf32, #tpu.memory_space<vmem>>, vector<1x16xf32>,
          %get3A_56 = vector.shape_cast %get3A_55 : vector<1x16xf32> to vector<16xf32>
          %add3A_57 = arith.addf %get3A_48, %get3A_56 : vector<16xf32>
          %mul3A_58 = arith.constant 8 : i32
          %mul3A_59 = arith.muli %scan3A_31, %mul3A_58 : i32
          %add3A_60 = arith.constant 2 : i32
          %add3A_61 = arith.addi %mul3A_59, %add3A_60 : i32
          %get3A_62 = arith.index_cast %add3A_61 : i32 to index
          %get3A_63 = arith.index_cast %mul3A_43 : i32 to index
          %get3A_64 = tpu.vector_load %arg6[%get3A_62, %get3A_63] {strides = array<i32>} : memref<64x512xf32, #tpu.memory_space<vmem>>, vector<1x16xf32>,
          %get3A_65 = vector.shape_cast %get3A_64 : vector<1x16xf32> to vector<16xf32>
          %add3A_66 = arith.addf %add3A_57, %get3A_65 : vector<16xf32>
          %mul3A_67 = arith.constant 8 : i32
          %mul3A_68 = arith.muli %scan3A_31, %mul3A_67 : i32
          %add3A_69 = arith.constant 3 : i32
          %add3A_70 = arith.addi %mul3A_68, %add3A_69 : i32
          %get3A_71 = arith.index_cast %add3A_70 : i32 to index
          %get3A_72 = arith.index_cast %mul3A_43 : i32 to index
          %get3A_73 = tpu.vector_load %arg6[%get3A_71, %get3A_72] {strides = array<i32>} : memref<64x512xf32, #tpu.memory_space<vmem>>, vector<1x16xf32>,
          %get3A_74 = vector.shape_cast %get3A_73 : vector<1x16xf32> to vector<16xf32>
          %add3A_75 = arith.addf %add3A_66, %get3A_74 : vector<16xf32>
          %mul3A_76 = arith.constant 8 : i32
          %mul3A_77 = arith.muli %scan3A_31, %mul3A_76 : i32
          %add3A_78 = arith.constant 4 : i32
          %add3A_79 = arith.addi %mul3A_77, %add3A_78 : i32
          %get3A_80 = arith.index_cast %add3A_79 : i32 to index
          %get3A_81 = arith.index_cast %mul3A_43 : i32 to index
          %get3A_82 = tpu.vector_load %arg6[%get3A_80, %get3A_81] {strides = array<i32>} : memref<64x512xf32, #tpu.memory_space<vmem>>, vector<1x16xf32>,
          %get3A_83 = vector.shape_cast %get3A_82 : vector<1x16xf32> to vector<16xf32>
          %add3A_84 = arith.addf %add3A_75, %get3A_83 : vector<16xf32>
          %mul3A_85 = arith.constant 8 : i32
          %mul3A_86 = arith.muli %scan3A_31, %mul3A_85 : i32
          %add3A_87 = arith.constant 5 : i32
          %add3A_88 = arith.addi %mul3A_86, %add3A_87 : i32
          %get3A_89 = arith.index_cast %add3A_88 : i32 to index
          %get3A_90 = arith.index_cast %mul3A_43 : i32 to index
          %get3A_91 = tpu.vector_load %arg6[%get3A_89, %get3A_90] {strides = array<i32>} : memref<64x512xf32, #tpu.memory_space<vmem>>, vector<1x16xf32>,
          %get3A_92 = vector.shape_cast %get3A_91 : vector<1x16xf32> to vector<16xf32>
          %add3A_93 = arith.addf %add3A_84, %get3A_92 : vector<16xf32>
          %mul3A_94 = arith.constant 8 : i32
          %mul3A_95 = arith.muli %scan3A_31, %mul3A_94 : i32
          %add3A_96 = arith.constant 6 : i32
          %add3A_97 = arith.addi %mul3A_95, %add3A_96 : i32
          %get3A_98 = arith.index_cast %add3A_97 : i32 to index
          %get3A_99 = arith.index_cast %mul3A_43 : i32 to index
          %get3A_100 = tpu.vector_load %arg6[%get3A_98, %get3A_99] {strides = array<i32>} : memref<64x512xf32, #tpu.memory_space<vmem>>, vector<1x16xf32>,
          %get3A_101 = vector.shape_cast %get3A_100 : vector<1x16xf32> to vector<16xf32>
          %add3A_102 = arith.addf %add3A_93, %get3A_101 : vector<16xf32>
          %mul3A_103 = arith.constant 8 : i32
          %mul3A_104 = arith.muli %scan3A_31, %mul3A_103 : i32
          %add3A_105 = arith.constant 7 : i32
          %add3A_106 = arith.addi %mul3A_104, %add3A_105 : i32
          %get3A_107 = arith.index_cast %add3A_106 : i32 to index
          %get3A_108 = arith.index_cast %mul3A_43 : i32 to index
          %get3A_109 = tpu.vector_load %arg6[%get3A_107, %get3A_108] {strides = array<i32>} : memref<64x512xf32, #tpu.memory_space<vmem>>, vector<1x16xf32>,
          %get3A_110 = vector.shape_cast %get3A_109 : vector<1x16xf32> to vector<16xf32>
          %add3A_111 = arith.addf %add3A_102, %get3A_110 : vector<16xf32>
          %mul3A_112 = arith.constant 1.250000e-01 : f32
          %mul3A_113 = vector.broadcast %mul3A_112 : f32 to vector<16xf32>
          %mul3A_114 = arith.mulf %add3A_111, %mul3A_113 : vector<16xf32>
          %swap3A = arith.index_cast %scan3A_31 : i32 to index
          %swap3A_115 = arith.index_cast %mul3A_43 : i32 to index
          %swap3A_116 = tpu.vector_load %arg7[%swap3A, %swap3A_115] {strides = array<i32>} : memref<8x512xf32, #tpu.memory_space<vmem>>, vector<1x16xf32>,
          %swap3A_117 = vector.shape_cast %swap3A_116 : vector<1x16xf32> to vector<16xf32>
          %swap3A_118 = vector.shape_cast %mul3A_114 : vector<16xf32> to vector<1x16xf32>
          tpu.vector_store %arg7[%swap3A, %swap3A_115], %swap3A_118 {strides = array<i32>} : memref<8x512xf32, #tpu.memory_space<vmem>>, vector<1x16xf32>,
          %scan3A_119 = arith.constant 0 : i32
          scf.yield %scan3A_119 : i32
        }
        %scan3A_39 = arith.constant 32 : i32
        scf.yield %scan3A_38 : i32
      }
      %scan3A_26 = arith.constant 8 : i32
      %mul3A_27 = arith.constant 8 : i32
      %mul3A_28 = arith.muli %scan3A_9, %mul3A_27 : i32
      %add3A_29 = arith.addi %mul3A_2, %mul3A_28 : i32
      "tpu.region"() ({
        %run_scoped3A = tpu.sem_alloc : memref<!tpu.dma_semaphore, #tpu.memory_space<semaphore_mem>>
        %dma_start3A_31 = arith.constant 0 : i32
        %dma_start3A_32 = tpu.memref_slice %arg4[%add3A_29, %dma_start3A_31] : memref<4096x512xf32, #tpu.memory_space<hbm>> -> memref<8x512xf32, #tpu.memory_space<hbm>>
        %dma_start3A_33 = arith.constant 0 : i32
        %dma_start3A_34 = tpu.memref_slice %arg4[%add3A_29, %dma_start3A_33] : memref<4096x512xf32, #tpu.memory_space<hbm>> -> memref<8x512xf32, #tpu.memory_space<hbm>>
        tpu.enqueue_dma source(%arg7 : memref<8x512xf32, #tpu.memory_space<vmem>>) target(%dma_start3A_34 : memref<8x512xf32, #tpu.memory_space<hbm>>) target_semaphore(%run_scoped3A : memref<!tpu.dma_semaphore, #tpu.memory_space<semaphore_mem>>)
        %dma_wait3A_35 = arith.constant 0 : i32
        %dma_wait3A_36 = tpu.memref_slice %arg4[%add3A_29, %dma_wait3A_35] : memref<4096x512xf32, #tpu.memory_space<hbm>> -> memref<8x512xf32, #tpu.memory_space<hbm>>
        %dma_wait3A_37 = arith.constant 0 : i32
        %dma_wait3A_38 = tpu.memref_slice %arg4[%add3A_29, %dma_wait3A_37] : memref<4096x512xf32, #tpu.memory_space<hbm>> -> memref<8x512xf32, #tpu.memory_space<hbm>>
        tpu.wait_dma2 semaphore(%run_scoped3A : memref<!tpu.dma_semaphore, #tpu.memory_space<semaphore_mem>>) src(%arg7 : memref<8x512xf32, #tpu.memory_space<vmem>>) dst(%dma_wait3A_38 : memref<8x512xf32, #tpu.memory_space<hbm>>)
        tpu.yield
      }) : () -> ()
      %scan3A_30 = arith.constant 0 : i32
      scf.yield %scan3A_30 : i32
    }
    %scan3A_8 = arith.constant 16 : i32
    return
  }
}

#map = affine_map<(d0, d1) -> (0, 0)>
#map1 = affine_map<(d0, d1) -> (0)>
module attributes {stable_mosaic.version = 14 : i64} {
  func.func @gather_mean(%arg0: i32, %arg1: i32, %arg2: memref<8192x512xf32, #tpu.memory_space<hbm>>, %arg3: memref<32768xi32, #tpu.memory_space<hbm>>, %arg4: memref<4096x512xf32, #tpu.memory_space<hbm>>, %arg5: memref<64xi32, #tpu.memory_space<vmem>>, %arg6: memref<64x512xf32, #tpu.memory_space<vmem>>, %arg7: memref<8x512xf32, #tpu.memory_space<vmem>>, %arg8: memref<!tpu.dma_semaphore, #tpu.memory_space<semaphore_mem>>) attributes {dimension_semantics = [#tpu.dimension_semantics<core_parallel>, #tpu.dimension_semantics<subcore_parallel>], iteration_bounds = array<i64: 2, 16>, scalar_prefetch = 0 : i64, scratch_operands = 4 : i64, tpu.core_type = #tpu.core_type<sc_vector_subcore>, window_params = [{transform_indices = #map}, {transform_indices = #map1}, {transform_indices = #map}]} {
    %mul3A = arith.constant 2 : i32
    %mul3A_0 = arith.muli %arg1, %mul3A : i32
    %add3A = arith.addi %mul3A_0, %arg0 : i32
    %mul3A_1 = arith.constant 128 : i32
    %mul3A_2 = arith.muli %add3A, %mul3A_1 : i32
    %scan3A = arith.constant 0 : i32
    %scan3A_3 = arith.constant 0 : i32
    %scan3A_4 = arith.constant 16 : i32
    %scan3A_5 = arith.addi %scan3A_3, %scan3A_4 : i32
    %scan3A_6 = arith.constant 1 : i32
    %scan3A_7 = scf.for %scan3A_9 = %scan3A_3 to %scan3A_5 step %scan3A_6 iter_args(%scan3A_10 = %scan3A) -> (i32)  : i32 {
      %mul3A_11 = arith.constant 8 : i32
      %mul3A_12 = arith.muli %scan3A_9, %mul3A_11 : i32
      %add3A_13 = arith.addi %mul3A_2, %mul3A_12 : i32
      %mul3A_14 = arith.constant 8 : i32
      %mul3A_15 = arith.muli %add3A_13, %mul3A_14 : i32
      "tpu.region"() ({
        %run_scoped3A = tpu.sem_alloc : memref<!tpu.dma_semaphore, #tpu.memory_space<semaphore_mem>>
        %dma_start3A_31 = tpu.memref_slice %arg3[%mul3A_15] : memref<32768xi32, #tpu.memory_space<hbm>> -> memref<64xi32, #tpu.memory_space<hbm>>
        %dma_start3A_32 = tpu.memref_slice %arg3[%mul3A_15] : memref<32768xi32, #tpu.memory_space<hbm>> -> memref<64xi32, #tpu.memory_space<hbm>>
        tpu.enqueue_dma source(%dma_start3A_32 : memref<64xi32, #tpu.memory_space<hbm>>) target(%arg5 : memref<64xi32, #tpu.memory_space<vmem>>) target_semaphore(%run_scoped3A : memref<!tpu.dma_semaphore, #tpu.memory_space<semaphore_mem>>)
        %dma_wait3A_33 = tpu.memref_slice %arg3[%mul3A_15] : memref<32768xi32, #tpu.memory_space<hbm>> -> memref<64xi32, #tpu.memory_space<hbm>>
        %dma_wait3A_34 = tpu.memref_slice %arg3[%mul3A_15] : memref<32768xi32, #tpu.memory_space<hbm>> -> memref<64xi32, #tpu.memory_space<hbm>>
        tpu.wait_dma2 semaphore(%run_scoped3A : memref<!tpu.dma_semaphore, #tpu.memory_space<semaphore_mem>>) src(%dma_wait3A_34 : memref<64xi32, #tpu.memory_space<hbm>>) dst(%arg5 : memref<64xi32, #tpu.memory_space<vmem>>)
        tpu.yield
      }) : () -> ()
      %dma_start3A = arith.constant 0 : i32
      %dma_start3A_16 = arith.constant 0 : i32
      %dma_start3A_17 = tpu.memref_slice %arg2[%dma_start3A, %dma_start3A_16] : memref<8192x512xf32, #tpu.memory_space<hbm>> -> memref<8192x512xf32, #tpu.memory_space<hbm>>
      tpu.enqueue_indirect_dma source(%dma_start3A_17 : memref<8192x512xf32, #tpu.memory_space<hbm>>) target(%arg6 : memref<64x512xf32, #tpu.memory_space<vmem>>) offsets(%arg5 : memref<64xi32, #tpu.memory_space<vmem>>) semaphore(%arg8 : memref<!tpu.dma_semaphore, #tpu.memory_space<semaphore_mem>>)
      %dma_wait3A = arith.constant 0 : i32
      %dma_wait3A_18 = arith.constant 0 : i32
      %dma_wait3A_19 = tpu.memref_slice %arg2[%dma_wait3A, %dma_wait3A_18] : memref<8192x512xf32, #tpu.memory_space<hbm>> -> memref<8192x512xf32, #tpu.memory_space<hbm>>
      tpu.wait_indirect_dma semaphore(%arg8 : memref<!tpu.dma_semaphore, #tpu.memory_space<semaphore_mem>>) src(%dma_wait3A_19 : memref<8192x512xf32, #tpu.memory_space<hbm>>) dst(%arg6 : memref<64x512xf32, #tpu.memory_space<vmem>>)
      %scan3A_20 = arith.constant 0 : i32
      %scan3A_21 = arith.constant 0 : i32
      %scan3A_22 = arith.constant 8 : i32
      %scan3A_23 = arith.addi %scan3A_21, %scan3A_22 : i32
      %scan3A_24 = arith.constant 1 : i32
      %scan3A_25 = scf.for %scan3A_31 = %scan3A_21 to %scan3A_23 step %scan3A_24 iter_args(%scan3A_32 = %scan3A_20) -> (i32)  : i32 {
        %scan3A_33 = arith.constant 0 : i32
        %scan3A_34 = arith.constant 0 : i32
        %scan3A_35 = arith.constant 32 : i32
        %scan3A_36 = arith.addi %scan3A_34, %scan3A_35 : i32
        %scan3A_37 = arith.constant 1 : i32
        %scan3A_38 = scf.for %scan3A_40 = %scan3A_34 to %scan3A_36 step %scan3A_37 iter_args(%scan3A_41 = %scan3A_33) -> (i32)  : i32 {
          %mul3A_42 = arith.constant 16 : i32
          %mul3A_43 = arith.muli %scan3A_40, %mul3A_42 : i32
          %mul3A_44 = arith.constant 8 : i32
          %mul3A_45 = arith.muli %scan3A_31, %mul3A_44 : i32
          %get3A = arith.index_cast %mul3A_45 : i32 to index
          %get3A_46 = arith.index_cast %mul3A_43 : i32 to index
          %get3A_47 = tpu.vector_load %arg6[%get3A, %get3A_46] {strides = array<i32>} : memref<64x512xf32, #tpu.memory_space<vmem>>, vector<1x16xf32>,
          %get3A_48 = vector.shape_cast %get3A_47 : vector<1x16xf32> to vector<16xf32>
          %mul3A_49 = arith.constant 8 : i32
          %mul3A_50 = arith.muli %scan3A_31, %mul3A_49 : i32
          %add3A_51 = arith.constant 1 : i32
          %add3A_52 = arith.addi %mul3A_50, %add3A_51 : i32
          %get3A_53 = arith.index_cast %add3A_52 : i32 to index
          %get3A_54 = arith.index_cast %mul3A_43 : i32 to index
          %get3A_55 = tpu.vector_load %arg6[%get3A_53, %get3A_54] {strides = array<i32>} : memref<64x512xf32, #tpu.memory_space<vmem>>, vector<1x16xf32>,
          %get3A_56 = vector.shape_cast %get3A_55 : vector<1x16xf32> to vector<16xf32>
          %add3A_57 = arith.addf %get3A_48, %get3A_56 : vector<16xf32>
          %mul3A_58 = arith.constant 8 : i32
          %mul3A_59 = arith.muli %scan3A_31, %mul3A_58 : i32
          %add3A_60 = arith.constant 2 : i32
          %add3A_61 = arith.addi %mul3A_59, %add3A_60 : i32
          %get3A_62 = arith.index_cast %add3A_61 : i32 to index
          %get3A_63 = arith.index_cast %mul3A_43 : i32 to index
          %get3A_64 = tpu.vector_load %arg6[%get3A_62, %get3A_63] {strides = array<i32>} : memref<64x512xf32, #tpu.memory_space<vmem>>, vector<1x16xf32>,
          %get3A_65 = vector.shape_cast %get3A_64 : vector<1x16xf32> to vector<16xf32>
          %add3A_66 = arith.addf %add3A_57, %get3A_65 : vector<16xf32>
          %mul3A_67 = arith.constant 8 : i32
          %mul3A_68 = arith.muli %scan3A_31, %mul3A_67 : i32
          %add3A_69 = arith.constant 3 : i32
          %add3A_70 = arith.addi %mul3A_68, %add3A_69 : i32
          %get3A_71 = arith.index_cast %add3A_70 : i32 to index
          %get3A_72 = arith.index_cast %mul3A_43 : i32 to index
          %get3A_73 = tpu.vector_load %arg6[%get3A_71, %get3A_72] {strides = array<i32>} : memref<64x512xf32, #tpu.memory_space<vmem>>, vector<1x16xf32>,
          %get3A_74 = vector.shape_cast %get3A_73 : vector<1x16xf32> to vector<16xf32>
          %add3A_75 = arith.addf %add3A_66, %get3A_74 : vector<16xf32>
          %mul3A_76 = arith.constant 8 : i32
          %mul3A_77 = arith.muli %scan3A_31, %mul3A_76 : i32
          %add3A_78 = arith.constant 4 : i32
          %add3A_79 = arith.addi %mul3A_77, %add3A_78 : i32
          %get3A_80 = arith.index_cast %add3A_79 : i32 to index
          %get3A_81 = arith.index_cast %mul3A_43 : i32 to index
          %get3A_82 = tpu.vector_load %arg6[%get3A_80, %get3A_81] {strides = array<i32>} : memref<64x512xf32, #tpu.memory_space<vmem>>, vector<1x16xf32>,
          %get3A_83 = vector.shape_cast %get3A_82 : vector<1x16xf32> to vector<16xf32>
          %add3A_84 = arith.addf %add3A_75, %get3A_83 : vector<16xf32>
          %mul3A_85 = arith.constant 8 : i32
          %mul3A_86 = arith.muli %scan3A_31, %mul3A_85 : i32
          %add3A_87 = arith.constant 5 : i32
          %add3A_88 = arith.addi %mul3A_86, %add3A_87 : i32
          %get3A_89 = arith.index_cast %add3A_88 : i32 to index
          %get3A_90 = arith.index_cast %mul3A_43 : i32 to index
          %get3A_91 = tpu.vector_load %arg6[%get3A_89, %get3A_90] {strides = array<i32>} : memref<64x512xf32, #tpu.memory_space<vmem>>, vector<1x16xf32>,
          %get3A_92 = vector.shape_cast %get3A_91 : vector<1x16xf32> to vector<16xf32>
          %add3A_93 = arith.addf %add3A_84, %get3A_92 : vector<16xf32>
          %mul3A_94 = arith.constant 8 : i32
          %mul3A_95 = arith.muli %scan3A_31, %mul3A_94 : i32
          %add3A_96 = arith.constant 6 : i32
          %add3A_97 = arith.addi %mul3A_95, %add3A_96 : i32
          %get3A_98 = arith.index_cast %add3A_97 : i32 to index
          %get3A_99 = arith.index_cast %mul3A_43 : i32 to index
          %get3A_100 = tpu.vector_load %arg6[%get3A_98, %get3A_99] {strides = array<i32>} : memref<64x512xf32, #tpu.memory_space<vmem>>, vector<1x16xf32>,
          %get3A_101 = vector.shape_cast %get3A_100 : vector<1x16xf32> to vector<16xf32>
          %add3A_102 = arith.addf %add3A_93, %get3A_101 : vector<16xf32>
          %mul3A_103 = arith.constant 8 : i32
          %mul3A_104 = arith.muli %scan3A_31, %mul3A_103 : i32
          %add3A_105 = arith.constant 7 : i32
          %add3A_106 = arith.addi %mul3A_104, %add3A_105 : i32
          %get3A_107 = arith.index_cast %add3A_106 : i32 to index
          %get3A_108 = arith.index_cast %mul3A_43 : i32 to index
          %get3A_109 = tpu.vector_load %arg6[%get3A_107, %get3A_108] {strides = array<i32>} : memref<64x512xf32, #tpu.memory_space<vmem>>, vector<1x16xf32>,
          %get3A_110 = vector.shape_cast %get3A_109 : vector<1x16xf32> to vector<16xf32>
          %add3A_111 = arith.addf %add3A_102, %get3A_110 : vector<16xf32>
          %mul3A_112 = arith.constant 1.250000e-01 : f32
          %mul3A_113 = vector.broadcast %mul3A_112 : f32 to vector<16xf32>
          %mul3A_114 = arith.mulf %add3A_111, %mul3A_113 : vector<16xf32>
          %swap3A = arith.index_cast %scan3A_31 : i32 to index
          %swap3A_115 = arith.index_cast %mul3A_43 : i32 to index
          %swap3A_116 = tpu.vector_load %arg7[%swap3A, %swap3A_115] {strides = array<i32>} : memref<8x512xf32, #tpu.memory_space<vmem>>, vector<1x16xf32>,
          %swap3A_117 = vector.shape_cast %swap3A_116 : vector<1x16xf32> to vector<16xf32>
          %swap3A_118 = vector.shape_cast %mul3A_114 : vector<16xf32> to vector<1x16xf32>
          tpu.vector_store %arg7[%swap3A, %swap3A_115], %swap3A_118 {strides = array<i32>} : memref<8x512xf32, #tpu.memory_space<vmem>>, vector<1x16xf32>,
          %scan3A_119 = arith.constant 0 : i32
          scf.yield %scan3A_119 : i32
        }
        %scan3A_39 = arith.constant 32 : i32
        scf.yield %scan3A_38 : i32
      }
      %scan3A_26 = arith.constant 8 : i32
      %mul3A_27 = arith.constant 8 : i32
      %mul3A_28 = arith.muli %scan3A_9, %mul3A_27 : i32
      %add3A_29 = arith.addi %mul3A_2, %mul3A_28 : i32
      "tpu.region"() ({
        %run_scoped3A = tpu.sem_alloc : memref<!tpu.dma_semaphore, #tpu.memory_space<semaphore_mem>>
        %dma_start3A_31 = arith.constant 0 : i32
        %dma_start3A_32 = tpu.memref_slice %arg4[%add3A_29, %dma_start3A_31] : memref<4096x512xf32, #tpu.memory_space<hbm>> -> memref<8x512xf32, #tpu.memory_space<hbm>>
        %dma_start3A_33 = arith.constant 0 : i32
        %dma_start3A_34 = tpu.memref_slice %arg4[%add3A_29, %dma_start3A_33] : memref<4096x512xf32, #tpu.memory_space<hbm>> -> memref<8x512xf32, #tpu.memory_space<hbm>>
        tpu.enqueue_dma source(%arg7 : memref<8x512xf32, #tpu.memory_space<vmem>>) target(%dma_start3A_34 : memref<8x512xf32, #tpu.memory_space<hbm>>) target_semaphore(%run_scoped3A : memref<!tpu.dma_semaphore, #tpu.memory_space<semaphore_mem>>)
        %dma_wait3A_35 = arith.constant 0 : i32
        %dma_wait3A_36 = tpu.memref_slice %arg4[%add3A_29, %dma_wait3A_35] : memref<4096x512xf32, #tpu.memory_space<hbm>> -> memref<8x512xf32, #tpu.memory_space<hbm>>
        %dma_wait3A_37 = arith.constant 0 : i32
        %dma_wait3A_38 = tpu.memref_slice %arg4[%add3A_29, %dma_wait3A_37] : memref<4096x512xf32, #tpu.memory_space<hbm>> -> memref<8x512xf32, #tpu.memory_space<hbm>>
        tpu.wait_dma2 semaphore(%run_scoped3A : memref<!tpu.dma_semaphore, #tpu.memory_space<semaphore_mem>>) src(%arg7 : memref<8x512xf32, #tpu.memory_space<vmem>>) dst(%dma_wait3A_38 : memref<8x512xf32, #tpu.memory_space<hbm>>)
        tpu.yield
      }) : () -> ()
      %scan3A_30 = arith.constant 0 : i32
      scf.yield %scan3A_30 : i32
    }
    %scan3A_8 = arith.constant 16 : i32
    return
  }
}

module attributes {stable_mosaic.version = 14 : i64} {
  func.func @_feat_kernel(%arg0: i32, %arg1: memref<512x512xf32, #tpu.memory_space<vmem>>, %arg2: memref<512x256xf32, #tpu.memory_space<vmem>>, %arg3: memref<1x256xf32, #tpu.memory_space<vmem>>, %arg4: memref<512x256xf32, #tpu.memory_space<vmem>>, %arg5: memref<256x512xf32, #tpu.memory_space<vmem>>) attributes {dimension_semantics = [#tpu.dimension_semantics<arbitrary>], iteration_bounds = array<i64: 16>, scalar_prefetch = 0 : i64, scratch_operands = 0 : i64, tpu.core_type = #tpu.core_type<tc>, window_params = [{transform_indices = @transform_0, window_bounds = array<i64: 512, 512>}, {pipeline_mode = #tpu.pipeline_mode<synchronous>, transform_indices = @transform_1, window_bounds = array<i64: 512, 256>}, {pipeline_mode = #tpu.pipeline_mode<synchronous>, transform_indices = @transform_2, window_bounds = array<i64: 1, 256>}, {transform_indices = @transform_3, window_bounds = array<i64: 512, 256>}, {transform_indices = @transform_4, window_bounds = array<i64: 256, 512>}]} {
    %get3A = arith.constant 0 : index
    %get3A_0 = arith.constant 0 : index
    %get3A_1 = vector.load %arg1[%get3A, %get3A_0] : memref<512x512xf32, #tpu.memory_space<vmem>>, vector<512x512xf32>
    %get3A_2 = arith.constant 0 : index
    %get3A_3 = arith.constant 0 : index
    %get3A_4 = vector.load %arg2[%get3A_2, %get3A_3] : memref<512x256xf32, #tpu.memory_space<vmem>>, vector<512x256xf32>
    %dot_general3A = arith.constant dense<0.000000e+00> : vector<512x256xf32>
    %dot_general3A_5 = tpu.matmul %get3A_1, %get3A_4, %dot_general3A {dimension_numbers = #tpu.dot_dimension_numbers<[1], [0], [0], [1], [0, 0, 1, 1], [], []>, transpose_lhs_hint = false} : vector<512x512xf32>, vector<512x256xf32>, vector<512x256xf32> -> vector<512x256xf32>
    %get3A_6 = arith.constant 0 : index
    %get3A_7 = arith.constant 0 : index
    %get3A_8 = vector.load %arg3[%get3A_6, %get3A_7] : memref<1x256xf32, #tpu.memory_space<vmem>>, vector<1x256xf32>
    %add3A = vector.broadcast %get3A_8 : vector<1x256xf32> to vector<512x256xf32>
    %add3A_9 = arith.addf %dot_general3A_5, %add3A : vector<512x256xf32>
    %ge3A = arith.constant 0.000000e+00 : f32
    %ge3A_10 = vector.broadcast %ge3A : f32 to vector<512x256xf32>
    %ge3A_11 = arith.cmpf oge, %add3A_9, %ge3A_10 : vector<512x256xf32>
    %mul3A = arith.constant 0.00999999977 : f32
    %mul3A_12 = vector.broadcast %mul3A : f32 to vector<512x256xf32>
    %mul3A_13 = arith.mulf %mul3A_12, %add3A_9 : vector<512x256xf32>
    %select_n3A = arith.select %ge3A_11, %add3A_9, %mul3A_13 : vector<512x256xi1>, vector<512x256xf32>
    %mul3A_14 = arith.mulf %select_n3A, %select_n3A : vector<512x256xf32>
    %reduce_sum3A = arith.constant dense<0.000000e+00> : vector<512xf32>
    %reduce_sum3A_15 = vector.multi_reduction <add>, %mul3A_14, %reduce_sum3A [1] : vector<512x256xf32> to vector<512xf32>
    %broadcast_in_dim3A = vector.shape_cast %reduce_sum3A_15 : vector<512xf32> to vector<512x1xf32>
    %sqrt3A = math.sqrt %broadcast_in_dim3A : vector<512x1xf32>
    %add3A_16 = arith.constant 9.99999993E-9 : f32
    %add3A_17 = vector.broadcast %add3A_16 : f32 to vector<512x1xf32>
    %add3A_18 = arith.addf %sqrt3A, %add3A_17 : vector<512x1xf32>
    %div3A = vector.broadcast %add3A_18 : vector<512x1xf32> to vector<512x256xf32>
    %div3A_19 = arith.divf %select_n3A, %div3A : vector<512x256xf32>
    %swap3A = arith.constant 0 : index
    %swap3A_20 = arith.constant 0 : index
    %swap3A_21 = vector.load %arg4[%swap3A, %swap3A_20] : memref<512x256xf32, #tpu.memory_space<vmem>>, vector<512x256xf32>
    tpu.vector_store %arg4[%swap3A, %swap3A_20], %div3A_19 {strides = array<i32>} : memref<512x256xf32, #tpu.memory_space<vmem>>, vector<512x256xf32>,
    %transpose3A = tpu.transpose %div3A_19, [1, 0] : vector<512x256xf32> -> vector<256x512xf32>
    %swap3A_22 = arith.constant 0 : index
    %swap3A_23 = arith.constant 0 : index
    %swap3A_24 = vector.load %arg5[%swap3A_22, %swap3A_23] : memref<256x512xf32, #tpu.memory_space<vmem>>, vector<256x512xf32>
    tpu.vector_store %arg5[%swap3A_22, %swap3A_23], %transpose3A {strides = array<i32>} : memref<256x512xf32, #tpu.memory_space<vmem>>, vector<256x512xf32>,
    return
  }
  func.func @transform_0(%arg0: i32) -> (i32, i32) {
    %c0_i32 = arith.constant 0 : i32
    %c0_i32_0 = arith.constant 0 : i32
    return %arg0, %c0_i32 : i32, i32
  }
  func.func @transform_1(%arg0: i32) -> (i32, i32) {
    %c0_i32 = arith.constant 0 : i32
    %c0_i32_0 = arith.constant 0 : i32
    %c0_i32_1 = arith.constant 0 : i32
    return %c0_i32, %c0_i32_0 : i32, i32
  }
  func.func @transform_2(%arg0: i32) -> (i32, i32) {
    %c0_i32 = arith.constant 0 : i32
    %c0_i32_0 = arith.constant 0 : i32
    %c0_i32_1 = arith.constant 0 : i32
    return %c0_i32, %c0_i32_0 : i32, i32
  }
  func.func @transform_3(%arg0: i32) -> (i32, i32) {
    %c0_i32 = arith.constant 0 : i32
    %c0_i32_0 = arith.constant 0 : i32
    return %arg0, %c0_i32 : i32, i32
  }
  func.func @transform_4(%arg0: i32) -> (i32, i32) {
    %c0_i32 = arith.constant 0 : i32
    %c0_i32_0 = arith.constant 0 : i32
    return %c0_i32, %arg0 : i32, i32
  }
}

module attributes {stable_mosaic.version = 14 : i64} {
  func.func @_topk_kernel(%arg0: i32, %arg1: memref<256x256xf32, #tpu.memory_space<vmem>>, %arg2: memref<256x8192xf32, #tpu.memory_space<vmem>>, %arg3: memref<256x8xi32, #tpu.memory_space<vmem>>) attributes {dimension_semantics = [#tpu.dimension_semantics<arbitrary>], iteration_bounds = array<i64: 16>, scalar_prefetch = 0 : i64, scratch_operands = 0 : i64, tpu.core_type = #tpu.core_type<tc>, window_params = [{transform_indices = @transform_0, window_bounds = array<i64: 256, 256>}, {pipeline_mode = #tpu.pipeline_mode<synchronous>, transform_indices = @transform_1, window_bounds = array<i64: 256, 8192>}, {transform_indices = @transform_2, window_bounds = array<i64: 256, 8>}]} {
    %get3A = arith.constant 0 : index
    %get3A_0 = arith.constant 0 : index
    %get3A_1 = vector.load %arg1[%get3A, %get3A_0] : memref<256x256xf32, #tpu.memory_space<vmem>>, vector<256x256xf32>
    %get3A_2 = arith.constant 0 : index
    %get3A_3 = arith.constant 0 : index
    %get3A_4 = vector.load %arg2[%get3A_2, %get3A_3] : memref<256x8192xf32, #tpu.memory_space<vmem>>, vector<256x512xf32>
    %dot_general3A = arith.constant dense<0.000000e+00> : vector<256x512xf32>
    %dot_general3A_5 = tpu.matmul %get3A_1, %get3A_4, %dot_general3A {dimension_numbers = #tpu.dot_dimension_numbers<[1], [0], [0], [1], [0, 0, 1, 1], [], []>, transpose_lhs_hint = false} : vector<256x256xf32>, vector<256x512xf32>, vector<256x512xf32> -> vector<256x512xf32>
    %get3A_6 = arith.constant 0 : index
    %get3A_7 = arith.constant 512 : index
    %get3A_8 = vector.load %arg2[%get3A_6, %get3A_7] : memref<256x8192xf32, #tpu.memory_space<vmem>>, vector<256x512xf32>
    %dot_general3A_9 = arith.constant dense<0.000000e+00> : vector<256x512xf32>
    %dot_general3A_10 = tpu.matmul %get3A_1, %get3A_8, %dot_general3A_9 {dimension_numbers = #tpu.dot_dimension_numbers<[1], [0], [0], [1], [0, 0, 1, 1], [], []>, transpose_lhs_hint = false} : vector<256x256xf32>, vector<256x512xf32>, vector<256x512xf32> -> vector<256x512xf32>
    %get3A_11 = arith.constant 0 : index
    %get3A_12 = arith.constant 1024 : index
    %get3A_13 = vector.load %arg2[%get3A_11, %get3A_12] : memref<256x8192xf32, #tpu.memory_space<vmem>>, vector<256x512xf32>
    %dot_general3A_14 = arith.constant dense<0.000000e+00> : vector<256x512xf32>
    %dot_general3A_15 = tpu.matmul %get3A_1, %get3A_13, %dot_general3A_14 {dimension_numbers = #tpu.dot_dimension_numbers<[1], [0], [0], [1], [0, 0, 1, 1], [], []>, transpose_lhs_hint = false} : vector<256x256xf32>, vector<256x512xf32>, vector<256x512xf32> -> vector<256x512xf32>
    %get3A_16 = arith.constant 0 : index
    %get3A_17 = arith.constant 1536 : index
    %get3A_18 = vector.load %arg2[%get3A_16, %get3A_17] : memref<256x8192xf32, #tpu.memory_space<vmem>>, vector<256x512xf32>
    %dot_general3A_19 = arith.constant dense<0.000000e+00> : vector<256x512xf32>
    %dot_general3A_20 = tpu.matmul %get3A_1, %get3A_18, %dot_general3A_19 {dimension_numbers = #tpu.dot_dimension_numbers<[1], [0], [0], [1], [0, 0, 1, 1], [], []>, transpose_lhs_hint = false} : vector<256x256xf32>, vector<256x512xf32>, vector<256x512xf32> -> vector<256x512xf32>
    %get3A_21 = arith.constant 0 : index
    %get3A_22 = arith.constant 2048 : index
    %get3A_23 = vector.load %arg2[%get3A_21, %get3A_22] : memref<256x8192xf32, #tpu.memory_space<vmem>>, vector<256x512xf32>
    %dot_general3A_24 = arith.constant dense<0.000000e+00> : vector<256x512xf32>
    %dot_general3A_25 = tpu.matmul %get3A_1, %get3A_23, %dot_general3A_24 {dimension_numbers = #tpu.dot_dimension_numbers<[1], [0], [0], [1], [0, 0, 1, 1], [], []>, transpose_lhs_hint = false} : vector<256x256xf32>, vector<256x512xf32>, vector<256x512xf32> -> vector<256x512xf32>
    %get3A_26 = arith.constant 0 : index
    %get3A_27 = arith.constant 2560 : index
    %get3A_28 = vector.load %arg2[%get3A_26, %get3A_27] : memref<256x8192xf32, #tpu.memory_space<vmem>>, vector<256x512xf32>
    %dot_general3A_29 = arith.constant dense<0.000000e+00> : vector<256x512xf32>
    %dot_general3A_30 = tpu.matmul %get3A_1, %get3A_28, %dot_general3A_29 {dimension_numbers = #tpu.dot_dimension_numbers<[1], [0], [0], [1], [0, 0, 1, 1], [], []>, transpose_lhs_hint = false} : vector<256x256xf32>, vector<256x512xf32>, vector<256x512xf32> -> vector<256x512xf32>
    %get3A_31 = arith.constant 0 : index
    %get3A_32 = arith.constant 3072 : index
    %get3A_33 = vector.load %arg2[%get3A_31, %get3A_32] : memref<256x8192xf32, #tpu.memory_space<vmem>>, vector<256x512xf32>
    %dot_general3A_34 = arith.constant dense<0.000000e+00> : vector<256x512xf32>
    %dot_general3A_35 = tpu.matmul %get3A_1, %get3A_33, %dot_general3A_34 {dimension_numbers = #tpu.dot_dimension_numbers<[1], [0], [0], [1], [0, 0, 1, 1], [], []>, transpose_lhs_hint = false} : vector<256x256xf32>, vector<256x512xf32>, vector<256x512xf32> -> vector<256x512xf32>
    %get3A_36 = arith.constant 0 : index
    %get3A_37 = arith.constant 3584 : index
    %get3A_38 = vector.load %arg2[%get3A_36, %get3A_37] : memref<256x8192xf32, #tpu.memory_space<vmem>>, vector<256x512xf32>
    %dot_general3A_39 = arith.constant dense<0.000000e+00> : vector<256x512xf32>
    %dot_general3A_40 = tpu.matmul %get3A_1, %get3A_38, %dot_general3A_39 {dimension_numbers = #tpu.dot_dimension_numbers<[1], [0], [0], [1], [0, 0, 1, 1], [], []>, transpose_lhs_hint = false} : vector<256x256xf32>, vector<256x512xf32>, vector<256x512xf32> -> vector<256x512xf32>
    %get3A_41 = arith.constant 0 : index
    %get3A_42 = arith.constant 4096 : index
    %get3A_43 = vector.load %arg2[%get3A_41, %get3A_42] : memref<256x8192xf32, #tpu.memory_space<vmem>>, vector<256x512xf32>
    %dot_general3A_44 = arith.constant dense<0.000000e+00> : vector<256x512xf32>
    %dot_general3A_45 = tpu.matmul %get3A_1, %get3A_43, %dot_general3A_44 {dimension_numbers = #tpu.dot_dimension_numbers<[1], [0], [0], [1], [0, 0, 1, 1], [], []>, transpose_lhs_hint = false} : vector<256x256xf32>, vector<256x512xf32>, vector<256x512xf32> -> vector<256x512xf32>
    %get3A_46 = arith.constant 0 : index
    %get3A_47 = arith.constant 4608 : index
    %get3A_48 = vector.load %arg2[%get3A_46, %get3A_47] : memref<256x8192xf32, #tpu.memory_space<vmem>>, vector<256x512xf32>
    %dot_general3A_49 = arith.constant dense<0.000000e+00> : vector<256x512xf32>
    %dot_general3A_50 = tpu.matmul %get3A_1, %get3A_48, %dot_general3A_49 {dimension_numbers = #tpu.dot_dimension_numbers<[1], [0], [0], [1], [0, 0, 1, 1], [], []>, transpose_lhs_hint = false} : vector<256x256xf32>, vector<256x512xf32>, vector<256x512xf32> -> vector<256x512xf32>
    %get3A_51 = arith.constant 0 : index
    %get3A_52 = arith.constant 5120 : index
    %get3A_53 = vector.load %arg2[%get3A_51, %get3A_52] : memref<256x8192xf32, #tpu.memory_space<vmem>>, vector<256x512xf32>
    %dot_general3A_54 = arith.constant dense<0.000000e+00> : vector<256x512xf32>
    %dot_general3A_55 = tpu.matmul %get3A_1, %get3A_53, %dot_general3A_54 {dimension_numbers = #tpu.dot_dimension_numbers<[1], [0], [0], [1], [0, 0, 1, 1], [], []>, transpose_lhs_hint = false} : vector<256x256xf32>, vector<256x512xf32>, vector<256x512xf32> -> vector<256x512xf32>
    %get3A_56 = arith.constant 0 : index
    %get3A_57 = arith.constant 5632 : index
    %get3A_58 = vector.load %arg2[%get3A_56, %get3A_57] : memref<256x8192xf32, #tpu.memory_space<vmem>>, vector<256x512xf32>
    %dot_general3A_59 = arith.constant dense<0.000000e+00> : vector<256x512xf32>
    %dot_general3A_60 = tpu.matmul %get3A_1, %get3A_58, %dot_general3A_59 {dimension_numbers = #tpu.dot_dimension_numbers<[1], [0], [0], [1], [0, 0, 1, 1], [], []>, transpose_lhs_hint = false} : vector<256x256xf32>, vector<256x512xf32>, vector<256x512xf32> -> vector<256x512xf32>
    %get3A_61 = arith.constant 0 : index
    %get3A_62 = arith.constant 6144 : index
    %get3A_63 = vector.load %arg2[%get3A_61, %get3A_62] : memref<256x8192xf32, #tpu.memory_space<vmem>>, vector<256x512xf32>
    %dot_general3A_64 = arith.constant dense<0.000000e+00> : vector<256x512xf32>
    %dot_general3A_65 = tpu.matmul %get3A_1, %get3A_63, %dot_general3A_64 {dimension_numbers = #tpu.dot_dimension_numbers<[1], [0], [0], [1], [0, 0, 1, 1], [], []>, transpose_lhs_hint = false} : vector<256x256xf32>, vector<256x512xf32>, vector<256x512xf32> -> vector<256x512xf32>
    %get3A_66 = arith.constant 0 : index
    %get3A_67 = arith.constant 6656 : index
    %get3A_68 = vector.load %arg2[%get3A_66, %get3A_67] : memref<256x8192xf32, #tpu.memory_space<vmem>>, vector<256x512xf32>
    %dot_general3A_69 = arith.constant dense<0.000000e+00> : vector<256x512xf32>
    %dot_general3A_70 = tpu.matmul %get3A_1, %get3A_68, %dot_general3A_69 {dimension_numbers = #tpu.dot_dimension_numbers<[1], [0], [0], [1], [0, 0, 1, 1], [], []>, transpose_lhs_hint = false} : vector<256x256xf32>, vector<256x512xf32>, vector<256x512xf32> -> vector<256x512xf32>
    %get3A_71 = arith.constant 0 : index
    %get3A_72 = arith.constant 7168 : index
    %get3A_73 = vector.load %arg2[%get3A_71, %get3A_72] : memref<256x8192xf32, #tpu.memory_space<vmem>>, vector<256x512xf32>
    %dot_general3A_74 = arith.constant dense<0.000000e+00> : vector<256x512xf32>
    %dot_general3A_75 = tpu.matmul %get3A_1, %get3A_73, %dot_general3A_74 {dimension_numbers = #tpu.dot_dimension_numbers<[1], [0], [0], [1], [0, 0, 1, 1], [], []>, transpose_lhs_hint = false} : vector<256x256xf32>, vector<256x512xf32>, vector<256x512xf32> -> vector<256x512xf32>
    %get3A_76 = arith.constant 0 : index
    %get3A_77 = arith.constant 7680 : index
    %get3A_78 = vector.load %arg2[%get3A_76, %get3A_77] : memref<256x8192xf32, #tpu.memory_space<vmem>>, vector<256x512xf32>
    %dot_general3A_79 = arith.constant dense<0.000000e+00> : vector<256x512xf32>
    %dot_general3A_80 = tpu.matmul %get3A_1, %get3A_78, %dot_general3A_79 {dimension_numbers = #tpu.dot_dimension_numbers<[1], [0], [0], [1], [0, 0, 1, 1], [], []>, transpose_lhs_hint = false} : vector<256x256xf32>, vector<256x512xf32>, vector<256x512xf32> -> vector<256x512xf32>
    %concatenate3A = tpu.concatenate %dot_general3A_5, %dot_general3A_10, %dot_general3A_15, %dot_general3A_20, %dot_general3A_25, %dot_general3A_30, %dot_general3A_35, %dot_general3A_40, %dot_general3A_45, %dot_general3A_50, %dot_general3A_55, %dot_general3A_60, %dot_general3A_65, %dot_general3A_70, %dot_general3A_75, %dot_general3A_80 in 1 : vector<256x512xf32>, vector<256x512xf32>, vector<256x512xf32>, vector<256x512xf32>, vector<256x512xf32>, vector<256x512xf32>, vector<256x512xf32>, vector<256x512xf32>, vector<256x512xf32>, vector<256x512xf32>, vector<256x512xf32>, vector<256x512xf32>, vector<256x512xf32>, vector<256x512xf32>, vector<256x512xf32>, vector<256x512xf32> -> vector<256x8192xf32>
    %iota3A = tpu.iota {dimensions = array<i32: 1>} : vector<256x8192xi32>
    %argmax3A = tpu.reduce_index %concatenate3A {axis = 1 : i32, kind = #tpu.reduction_kind<arg_max>} : vector<256x8192xf32> -> vector<256xi32>
    %broadcast_in_dim3A = vector.shape_cast %argmax3A : vector<256xi32> to vector<256x1xi32>
    %eq3A = vector.broadcast %broadcast_in_dim3A : vector<256x1xi32> to vector<256x8192xi32>
    %eq3A_81 = arith.cmpi eq, %iota3A, %eq3A : vector<256x8192xi32>
    %jit3A = arith.constant 0xFF800000 : f32
    %broadcast_in_dim3A_82 = vector.broadcast %jit3A : f32 to vector<256x8192xf32>
    %select_n3A = arith.select %eq3A_81, %broadcast_in_dim3A_82, %concatenate3A : vector<256x8192xi1>, vector<256x8192xf32>
    %argmax3A_83 = tpu.reduce_index %select_n3A {axis = 1 : i32, kind = #tpu.reduction_kind<arg_max>} : vector<256x8192xf32> -> vector<256xi32>
    %broadcast_in_dim3A_84 = vector.shape_cast %argmax3A_83 : vector<256xi32> to vector<256x1xi32>
    %eq3A_85 = vector.broadcast %broadcast_in_dim3A_84 : vector<256x1xi32> to vector<256x8192xi32>
    %eq3A_86 = arith.cmpi eq, %iota3A, %eq3A_85 : vector<256x8192xi32>
    %jit3A_87 = arith.constant 0xFF800000 : f32
    %broadcast_in_dim3A_88 = vector.broadcast %jit3A_87 : f32 to vector<256x8192xf32>
    %select_n3A_89 = arith.select %eq3A_86, %broadcast_in_dim3A_88, %select_n3A : vector<256x8192xi1>, vector<256x8192xf32>
    %argmax3A_90 = tpu.reduce_index %select_n3A_89 {axis = 1 : i32, kind = #tpu.reduction_kind<arg_max>} : vector<256x8192xf32> -> vector<256xi32>
    %broadcast_in_dim3A_91 = vector.shape_cast %argmax3A_90 : vector<256xi32> to vector<256x1xi32>
    %eq3A_92 = vector.broadcast %broadcast_in_dim3A_91 : vector<256x1xi32> to vector<256x8192xi32>
    %eq3A_93 = arith.cmpi eq, %iota3A, %eq3A_92 : vector<256x8192xi32>
    %jit3A_94 = arith.constant 0xFF800000 : f32
    %broadcast_in_dim3A_95 = vector.broadcast %jit3A_94 : f32 to vector<256x8192xf32>
    %select_n3A_96 = arith.select %eq3A_93, %broadcast_in_dim3A_95, %select_n3A_89 : vector<256x8192xi1>, vector<256x8192xf32>
    %argmax3A_97 = tpu.reduce_index %select_n3A_96 {axis = 1 : i32, kind = #tpu.reduction_kind<arg_max>} : vector<256x8192xf32> -> vector<256xi32>
    %broadcast_in_dim3A_98 = vector.shape_cast %argmax3A_97 : vector<256xi32> to vector<256x1xi32>
    %eq3A_99 = vector.broadcast %broadcast_in_dim3A_98 : vector<256x1xi32> to vector<256x8192xi32>
    %eq3A_100 = arith.cmpi eq, %iota3A, %eq3A_99 : vector<256x8192xi32>
    %jit3A_101 = arith.constant 0xFF800000 : f32
    %broadcast_in_dim3A_102 = vector.broadcast %jit3A_101 : f32 to vector<256x8192xf32>
    %select_n3A_103 = arith.select %eq3A_100, %broadcast_in_dim3A_102, %select_n3A_96 : vector<256x8192xi1>, vector<256x8192xf32>
    %argmax3A_104 = tpu.reduce_index %select_n3A_103 {axis = 1 : i32, kind = #tpu.reduction_kind<arg_max>} : vector<256x8192xf32> -> vector<256xi32>
    %broadcast_in_dim3A_105 = vector.shape_cast %argmax3A_104 : vector<256xi32> to vector<256x1xi32>
    %eq3A_106 = vector.broadcast %broadcast_in_dim3A_105 : vector<256x1xi32> to vector<256x8192xi32>
    %eq3A_107 = arith.cmpi eq, %iota3A, %eq3A_106 : vector<256x8192xi32>
    %jit3A_108 = arith.constant 0xFF800000 : f32
    %broadcast_in_dim3A_109 = vector.broadcast %jit3A_108 : f32 to vector<256x8192xf32>
    %select_n3A_110 = arith.select %eq3A_107, %broadcast_in_dim3A_109, %select_n3A_103 : vector<256x8192xi1>, vector<256x8192xf32>
    %argmax3A_111 = tpu.reduce_index %select_n3A_110 {axis = 1 : i32, kind = #tpu.reduction_kind<arg_max>} : vector<256x8192xf32> -> vector<256xi32>
    %broadcast_in_dim3A_112 = vector.shape_cast %argmax3A_111 : vector<256xi32> to vector<256x1xi32>
    %eq3A_113 = vector.broadcast %broadcast_in_dim3A_112 : vector<256x1xi32> to vector<256x8192xi32>
    %eq3A_114 = arith.cmpi eq, %iota3A, %eq3A_113 : vector<256x8192xi32>
    %jit3A_115 = arith.constant 0xFF800000 : f32
    %broadcast_in_dim3A_116 = vector.broadcast %jit3A_115 : f32 to vector<256x8192xf32>
    %select_n3A_117 = arith.select %eq3A_114, %broadcast_in_dim3A_116, %select_n3A_110 : vector<256x8192xi1>, vector<256x8192xf32>
    %argmax3A_118 = tpu.reduce_index %select_n3A_117 {axis = 1 : i32, kind = #tpu.reduction_kind<arg_max>} : vector<256x8192xf32> -> vector<256xi32>
    %broadcast_in_dim3A_119 = vector.shape_cast %argmax3A_118 : vector<256xi32> to vector<256x1xi32>
    %eq3A_120 = vector.broadcast %broadcast_in_dim3A_119 : vector<256x1xi32> to vector<256x8192xi32>
    %eq3A_121 = arith.cmpi eq, %iota3A, %eq3A_120 : vector<256x8192xi32>
    %jit3A_122 = arith.constant 0xFF800000 : f32
    %broadcast_in_dim3A_123 = vector.broadcast %jit3A_122 : f32 to vector<256x8192xf32>
    %select_n3A_124 = arith.select %eq3A_121, %broadcast_in_dim3A_123, %select_n3A_117 : vector<256x8192xi1>, vector<256x8192xf32>
    %argmax3A_125 = tpu.reduce_index %select_n3A_124 {axis = 1 : i32, kind = #tpu.reduction_kind<arg_max>} : vector<256x8192xf32> -> vector<256xi32>
    %broadcast_in_dim3A_126 = vector.shape_cast %argmax3A_125 : vector<256xi32> to vector<256x1xi32>
    %concatenate3A_127 = tpu.concatenate %broadcast_in_dim3A, %broadcast_in_dim3A_84, %broadcast_in_dim3A_91, %broadcast_in_dim3A_98, %broadcast_in_dim3A_105, %broadcast_in_dim3A_112, %broadcast_in_dim3A_119, %broadcast_in_dim3A_126 in 1 : vector<256x1xi32>, vector<256x1xi32>, vector<256x1xi32>, vector<256x1xi32>, vector<256x1xi32>, vector<256x1xi32>, vector<256x1xi32>, vector<256x1xi32> -> vector<256x8xi32>
    %swap3A = arith.constant 0 : index
    %swap3A_128 = arith.constant 0 : index
    %swap3A_129 = vector.load %arg3[%swap3A, %swap3A_128] : memref<256x8xi32, #tpu.memory_space<vmem>>, vector<256x8xi32>
    tpu.vector_store %arg3[%swap3A, %swap3A_128], %concatenate3A_127 {strides = array<i32>} : memref<256x8xi32, #tpu.memory_space<vmem>>, vector<256x8xi32>,
    return
  }
  func.func @transform_0(%arg0: i32) -> (i32, i32) {
    %c0_i32 = arith.constant 0 : i32
    %c0_i32_0 = arith.constant 0 : i32
    return %arg0, %c0_i32 : i32, i32
  }
  func.func @transform_1(%arg0: i32) -> (i32, i32) {
    %c0_i32 = arith.constant 0 : i32
    %c0_i32_0 = arith.constant 0 : i32
    %c0_i32_1 = arith.constant 0 : i32
    return %c0_i32, %c0_i32_0 : i32, i32
  }
  func.func @transform_2(%arg0: i32) -> (i32, i32) {
    %c0_i32 = arith.constant 0 : i32
    %c0_i32_0 = arith.constant 0 : i32
    return %arg0, %c0_i32 : i32, i32
  }
}

</mosaic_0001>

<sc_bundles>
// kernel: kernel.10.cloned.1.call-start
scs
__scs_entry_jumppad:
0x0: {  	(pc) =	sbr.rel $0x88, $3  }
0x1: {  	(tag) =	ssettag $0x0;
	lr =	simm.s32 $0x1  }
0x2: {  	[smem:$0x3F9E] =	sst lr;
	_ =	strace $0xD0000000  }
0x3: {  	_ = 	snop  }
0x4: {  	_ = 	snop  }
0x5: {  	_ = 	snop  }
0x6: {  	_ = 	snop  }
0x7: {  	_ = 	snop  }
__scs_overlays_trampoline_lowered:
0x8: {  	[smem:$0x3FAD] =	sst s0  }
0x9: {  	[smem:$0x3FAE] =	sst s1  }
0xa: {  	[smem:$0x3FAF] =	sst s2  }
0xb: {  	[smem:$0x3FB0] =	sst s3  }
0xc: {  	[smem:$0x3FB1] =	sst s4  }
0xd: {  	[smem:$0x3FB2] =	sst s5  }
0xe: {  	[smem:$0x3FB3] =	sst s6  }
0xf: {  	[smem:$0x3FB4] =	sst s7  }
0x10: {  	[smem:$0x3FB5] =	sst s8  }
0x11: {  	[smem:$0x3FB6] =	sst s9;
	s0 =	simm.s32 @!p0 $0x0  }
0x12: {  	s1 =	sld [smem:$0x3F9C];
	s0 =	simm.s32 @p0 $0x1  }
0x13: {  	[smem:$0x3FB7] =	sst s0;
	s0 =	simm.s32 @!p1 $0x0  }
0x14: {  	s2 =	sld [smem:$0x3F9B];
	s0 =	simm.s32 @p1 $0x1  }
0x15: {  	[smem:$0x3FB8] =	sst s0;
	s0 =	simm.s32 @!p2 $0x0  }
0x16: {  	s3 =	sld [smem:$0x3FDB];
	s0 =	simm.s32 @p2 $0x1  }
0x17: {  	s4 =	simm.s32 $0x1BF5;
	[smem:$0x3FBA] =	sst s0  }
0x18: {  	s0 =	sld [smem:$0x3F9D];
	_ =	swait.ge [sflag:s4], $0x0  }
0x19: {  	s7 =	sld [smem:$0x3F9E]  }
0x1a: {  	s8 =	sadd.s32 $0xFFFFE003, lr  }
0x1b: {  	s9 =	sadd.s32 $0xFFFFFEF7, lr;
	s5 =	simm.s32 $0xFFFFFFFF;
	p2 =	slt.u32 s8, $0xFFFFF086  }
0x1c: {  	p1 =	slt.u32 s9, $0xF7A;
	s5 =	simm.s32 @!p2 $0x0  }
0x1d: {  	s5 =	simm.s32 @p1 $0x1;
	p0 =	seq.s32 s7, s2  }
0x1e: {  	s7 =	smul.u32 @!p0 $0xF7A, s2;
	p2 =	seq.s32 @!p0 s5, $0x0  }
0x1f: {  	s9 =	smul.u32 $0xF7A, s1;
	s8 =	simm.s32 @!p0 $0x1BF5;
	p2 =	por !p2, p0  }
0x20: {  	[sflag:s8] =	ssyncset.s32 @!p0 $0xFFFFF086;
	s6 =	sadd.s32 @!p0 s3, s7;
	s7 =	simm.s32 @!p0 $0x108  }
0x21: {  	s3 =	sadd.s32 s3, s9;
	s6 =	sadd.s32 @!p0 $0x88, s6;
	s7 =	simm.s32 @p2 $0x1082  }
0x22: {  	[simem:s7], [sflag:s8] =	dma.local @!p0 [hbm:s6], $0xF7A  }
0x23: {  	s9 =	sor.u32 $0xD0000000, s2;
	s6 =	simm.s32 $0x108;
	_ =	swait.ge @!p0 [sflag:s8], $0x0  }
0x24: {  	s3 =	sadd.s32 $0x88, s3;
	s6 =	simm.s32 @!p1 $0x1082;
	[sflag:s4] =	ssyncset.s32 $0xFFFFF086  }
0x25: {  	[simem:s6], [sflag:s4] =	dma.local [hbm:s3], $0xF7A  }
0x26: {  	[smem:$0x3F9E] =	sst s1;
	(tag) =	ssettag s2;
	_ =	strace s9  }
0x27: {  	s1 =	sld [smem:$0x3FAE]  }
0x28: {  	s2 =	sld [smem:$0x3FAF]  }
0x29: {  	s4 =	sld [smem:$0x3FB1]  }
0x2a: {  	p0 =	seq.s32 s5, $0x0;
	s5 =	sld [smem:$0x3FB2]  }
0x2b: {  	s6 =	sld [smem:$0x3FB3]  }
0x2c: {  	s7 =	sld [smem:$0x3FB4]  }
0x2d: {  	s3 =	simm.s32 $0x108;
	s8 =	sld [smem:$0x3FB5]  }
0x2e: {  	s3 =	simm.s32 @!p0 $0x1082;
	s9 =	sld [smem:$0x3FB6]  }
0x2f: {  	lr =	sadd.s32 s0, s3;
	s0 =	sld [smem:$0x3FAD]  }
0x30: {  	s3 =	sld [smem:$0x3FB0]  }
0x31: {  	[smem:$0x3FB9] =	sst s10  }
0x32: {  	s10 =	sld [smem:$0x3FB7];
	_ =	sdelay $0x3  }
0x33: {  	p0 =	seq.s32 s10, $0x1;
	s10 =	sld [smem:$0x3FB9];
	_ =	sdelay $0x3  }
0x34: {  	[smem:$0x3FB9] =	sst s10  }
0x35: {  	s10 =	sld [smem:$0x3FB8];
	_ =	sdelay $0x3  }
0x36: {  	p1 =	seq.s32 s10, $0x1;
	s10 =	sld [smem:$0x3FB9];
	_ =	sdelay $0x3  }
0x37: {  	[smem:$0x3FB9] =	sst s10  }
0x38: {  	s10 =	sld [smem:$0x3FBA]  }
0x39: {  	_ = 	snop;
	(pc) =	sbr.ind lr, $3  }
0x3a: {  	_ = 	snop  }
0x3b: {  	_ = 	snop  }
0x3c: {  	p2 =	seq.s32 s10, $0x1;
	s10 =	sld [smem:$0x3FB9]  }
0x3d: {  	_ =	shalt  }
0x3e: {  	_ =	shalt  }
0x3f: {  	_ =	shalt  }
0x40: {  	_ =	shalt  }
0x41: {  	_ =	shalt  }
0x42: {  	_ =	shalt  }
0x43: {  	_ =	shalt  }
0x44: {  	_ =	shalt  }
0x45: {  	_ =	shalt  }
0x46: {  	_ =	shalt  }
0x47: {  	_ =	shalt  }
0x48: {  	_ =	shalt  }
0x49: {  	_ =	shalt  }
0x4a: {  	_ =	shalt  }
0x4b: {  	_ =	shalt  }
0x4c: {  	_ =	shalt  }
0x4d: {  	_ =	shalt  }
0x4e: {  	_ =	shalt  }
0x4f: {  	_ =	shalt  }
0x50: {  	_ =	shalt  }
0x51: {  	_ =	shalt  }
0x52: {  	_ =	shalt  }
0x53: {  	_ =	shalt  }
0x54: {  	_ =	shalt  }
0x55: {  	_ =	shalt  }
0x56: {  	_ =	shalt  }
0x57: {  	_ =	shalt  }
0x58: {  	_ =	shalt  }
0x59: {  	_ =	shalt  }
0x5a: {  	_ =	shalt  }
0x5b: {  	_ =	shalt  }
0x5c: {  	_ =	shalt  }
0x5d: {  	_ =	shalt  }
0x5e: {  	_ =	shalt  }
0x5f: {  	_ =	shalt  }
0x60: {  	_ =	shalt  }
0x61: {  	_ =	shalt  }
0x62: {  	_ =	shalt  }
0x63: {  	_ =	shalt  }
0x64: {  	_ =	shalt  }
0x65: {  	_ =	shalt  }
0x66: {  	_ =	shalt  }
0x67: {  	_ =	shalt  }
0x68: {  	_ =	shalt  }
0x69: {  	_ =	shalt  }
0x6a: {  	_ =	shalt  }
0x6b: {  	_ =	shalt  }
0x6c: {  	_ =	shalt  }
0x6d: {  	_ =	shalt  }
0x6e: {  	_ =	shalt  }
0x6f: {  	_ =	shalt  }
0x70: {  	_ =	shalt  }
0x71: {  	_ =	shalt  }
0x72: {  	_ =	shalt  }
0x73: {  	_ =	shalt  }
0x74: {  	_ =	shalt  }
0x75: {  	_ =	shalt  }
0x76: {  	_ =	shalt  }
0x77: {  	_ =	shalt  }
0x78: {  	_ =	shalt  }
0x79: {  	_ =	shalt  }
0x7a: {  	_ =	shalt  }
0x7b: {  	_ =	shalt  }
0x7c: {  	_ =	shalt  }
0x7d: {  	_ =	shalt  }
0x7e: {  	_ =	shalt  }
0x7f: {  	_ =	shalt  }
0x80: {  	_ =	shalt  }
0x81: {  	_ =	shalt  }
0x82: {  	_ =	shalt  }
0x83: {  	_ =	shalt  }
0x84: {  	_ =	shalt  }
0x85: {  	_ =	shalt  }
0x86: {  	_ =	shalt  }
0x87: {  	_ =	shalt  }
.Lfunc_end0:
.L_simem_size_0:
called_computation.1_lowered:
.L_overlay_start_0:
0x88: {  	s2 =	sld [smem:$0x3FD9]  }
0x89: {  	s3 =	sld [smem:$0x3FFE];
	_ =	sdelay $0x1  }
0x8a: {  	s1 =	srdreg.scid  }
0x8b: {  	s0 =	sand.u32 $0x1, s1  }
0x8c: {  	s14 =	sshll.u32 s0, $0xA;
	s2 =	sadd.s32 s3, s2  }
0x8d: {  	s2 =	sadd.s32 s2, s14  }
0x8e: {  	[smem:$0x3FC5] =	sst s2  }
0x8f: {  	_ = 	snop  }
0x90: {  	s2 =	sld [smem:$0x3FD0];
	_ =	sdelay $0x2  }
0x91: {  	s4 =	simm.s32 $0xB;
	s5 =	simm.s32 $0x10;
	s15 =	sld [smem:$0x3FC9]  }
0x92: {  	[smem:s5], [sflag:s4] =	dma.local [hbm:s2], $0x1  }
0x93: {  	_ =	swait.eq [sflag:s4], $0x1  }
0x94: {  	[sflag:s4] =	ssyncset.done $0x0  }
0x95: {  	[sflag:s4] =	ssyncadd.s32 $0xFFFFFFFF  }
0x96: {  	s16 =	sld [smem:$0x12];
	(tm) =	ssettm $0x1  }
0x97: {  	s17 =	sld [smem:$0x3FFB];
	_ =	sdelay $0x3  }
0x98: {  	_ =	strace s17  }
0x99: {  	s4 =	sld [smem:$0x3FFC];
	_ =	sdelay $0x3  }
0x9a: {  	_ =	strace s4  }
0x9b: {  	s4 =	sld [smem:$0x3FFD];
	_ =	sdelay $0x3  }
0x9c: {  	_ =	strace s4  }
0x9d: {  	_ =	strace $0x8FFFFFFF  }
0x9e: {  	s18 =	sld [smem:$0x3FDB];
	_ =	sdelay $0x1  }
0x9f: {  	s19 =	simm.s32 $_scs_section_size  }
0xa0: {  	s6 =	simm.s32 $_size__tile_overlayer_lowered;
	s7 =	simm.s32 $_tile_overlayer_lowered  }
0xa1: {  	s22 =	simm.s32 $0x1BFF;
	s21 =	sshll.u32 s7, $0x1;
	s4 =	sadd.s32 s19, s18  }
0xa2: {  	s8 =	simm.s32 $0x0;
	s20 =	sshll.u32 s6, $0x1;
	s6 =	sadd.s32 s21, s4  }
0xa3: {  	[timem:s8], [sflag:s22] =	dma.local [hbm:s6], s20  }
0xa4: {  	_ =	swait.ge [sflag:s22], s20  }
0xa5: {  	s5 =	ssub.s32 $0x0, s20;
	[sflag:s22] =	ssyncset.done $0x0  }
0xa6: {  	[sflag:s22] =	ssyncadd.s32 s5;
	_ =	sdelay $0x1  }
0xa7: {  	s23 =	simm.s32 $0x1B8B  }
0xa8: {  	_ =	swait.ge [sflag:s23], $0x1  }
0xa9: {  	[sflag:s23] =	ssyncset.done $0x0  }
0xaa: {  	s25 =	simm.s32 $0x1B8E;
	s24 =	sld [smem:$0x3FFE];
	[sflag:s23] =	ssyncadd.s32 $0xFFFFFFFF  }
0xab: {  	s26 =	simm.s32 $execute0_lowered;
	[smem:$0x3FD2] =	sst s25  }
0xac: {  	s6 =	sshll.u32 s26, $0x1;
	_ =	strace $0x80000046;
	[dreg:$0x1] =	wrdreg $0xFFFFFFFF  }
0xad: {  	s28 =	simm.s32 $_size_execute0_lowered;
	s4 =	sadd.s32 s4, s6;
	[dreg:$0x0] =	wrdreg $0x0  }
0xae: {  	s6 =	sshll.u32 s28, $0x1;
	[dreg:$0x2] =	wrdreg s4  }
0xaf: {  	[dreg:$0x3] =	wrdreg s6  }
0xb0: {  	[dreg:$0x4] =	wrdreg $0xC0  }
0xb1: {  	_ =	task [dreg:s8], $0x5FFFF  }
0xb2: {  	[dreg:$0x1] =	wrdreg $0xFFFFFFFF  }
0xb3: {  	[dreg:$0x0] =	wrdreg $0x60  }
0xb4: {  	[dreg:$0x2] =	wrdreg s15  }
0xb5: {  	[dreg:$0x3] =	wrdreg s16  }
0xb6: {  	[dreg:$0x4] =	wrdreg s24  }
0xb7: {  	[dreg:$0x5] =	wrdreg $0xA  }
0xb8: {  	_ =	task.clear_ibuf [dreg:s8], $0x6FFFF;
	_ =	strace $0x90000046  }
0xb9: {  	s29 =	simm.s32 $0xA;
	_ =	strace $0x80000048  }
0xba: {  	_ =	swait.ge [sflag:s29], $0x1  }
0xbb: {  	[sflag:s29] =	ssyncadd.s32 $0xFFFFFFFF  }
0xbc: {  	_ =	strace $0x90000048  }
0xbd: {  	_ =	sfence  }
0xbe: {  	s30 =	sld [smem:$0x0];
	_ =	sdelay $0x2  }
0xbf: {  	s31 =	sshll.u32 s1, $0xD;
	s1 =	sshrl.u32 s1, $0x2  }
0xc0: {  	s3 =	sand.u32 $0x4000, s31;
	s1 =	sadd.s32 s1, s30  }
0xc1: {  	s0 =	sor.u32 s3, s0;
	s1 =	sshll.u32 s1, $0x11  }
0xc2: {  	s0 =	sor.u32 s1, s0  }
0xc3: {  	s0 =	sadd.s32 $0x8F2B, s0  }
0xc4: {  	[sflag:s0] =	ssyncadd.remote.s32 $0x1  }
0xc5: {  	_ =	sfence.sel $0xFFFF  }
0xc6: {  	[dreg:$0x0] =	wrdreg $0xFFFFFFFF;
	(pc) =	sbr.abs _section_cstart, $3  }
0xc7: {  	[dreg:$0x1] =	wrdreg $0xFFFFFFFF  }
0xc8: {  	_ =	task.clear_ibuf [dreg:s8], $0x2FFFF;
	_ =	strace $0x9FFFFFFF  }
0xc9: {  	(tm) =	ssettm $0x7FFFFFFF  }
tec
execute0_lowered:
.L_overlay_start_1:
0x0: {  	(tag) =	ssettag $0x1  }
0x1: {  	s1 =	rddreg [dreg:$0x0]  }
0x2: {  	s0 =	rddreg [dreg:$0x2];
	s2 =	simm.s32 $0x0  }
0x3: {  	s30 =	srdreg.scid;
	s4 =	stileid.u32;
	s9 =	simm.s32 $0x2  }
0x4: {  	s15 =	simm.s32 $0x2880;
	s16 =	simm.s32 $0x3080;
	s17 =	simm.s32 $0x3880  }
0x5: {  	s18 =	simm.s32 $0x4080;
	s19 =	simm.s32 $0x4880;
	s20 =	simm.s32 $0x5080  }
0x6: {  	s21 =	simm.s32 $0x5880;
	s22 =	simm.s32 $0x6080;
	s23 =	simm.s32 $0x6880  }
0x7: {  	s24 =	simm.s32 $0x7080;
	[smem:$0x7FF] =	sst s2;
	s2 =	sand.u32 $0x1, s30  }
0x8: {  	s25 =	simm.s32 $0x7880;
	s26 =	simm.s32 $0x1;
	s31 =	ssub.s32 $0x2, s2  }
0x9: {  	s28 =	simm.s32 $0x8080;
	s5 =	sadd.s32 $0x2400, s0;
	s3 =	sshrl.u32 s31, $0x1  }
0xa: {  	v2 =	vlaneseq.u32;
	s4 =	sshll.u32 s4, $0x8;
	s7 =	sadd.s32 $0x100, s1;
	s0 =	ssub.s32 s31, s3  }
0xb: {  	vm0 =	vmmov $0xffff;
	v1 =	vshrl.u32 v2, $0x3;
	_ =	strace $0x80000047;
	s2 =	sshll.u32 s2, $0x7;
	s0 =	smax.u32 s0, $0x1  }
0xc: {  	v0 =	vand.u32 $0x7, v2;
	v2 =	vor.u32 $0x8, v2;
	v1 =	vmul.u32 $0x8, v1;
	s6 =	sor.u32 s2, s4;
	s2 =	simm.s32 $0x0;
	[dreg:$0x4] =	wrdreg s0  }
.LBB2_1:
0xd: {  	[dreg:$0x5] =	wrdreg s2;
	s30 =	simm.s32 $0x0  }
.LBB2_2:
0xe: {  	s0 =	sshll.u32 s30, $0x3  }
0xf: {  	s10 =	rddreg [dreg:$0x1];
	s31 =	sadd.s32 s6, s0  }
0x10: {  	s0 =	simm.s32 $0x0;
	s2 =	sadd.s32 s10, s31  }
0x11: {  	[tilespmem:s0], [sflag:$0x2] =	stream.linear.gather [hbm4b:s2+s0], $0x40, $0x38;
	[tilespmem:$0x9080] =	vst v63  }
0x12: {  	_ =	swait.ge [sflag:s9], $0x40  }
0x13: {  	[sflag:s9] =	ssyncset.done $0x0  }
0x14: {  	[sflag:s9] =	ssyncadd.s32 $0xFFFFFFC0  }
0x15: {  	v3 =	vld [tilespmem:$0x0];
	_ =	sdelay $0x4  }
0x16: {  	v4 =	vshll.u32 v3, $0x2  }
0x17: {  	v3 =	vand.u32 $0x7, v3;
	v4 =	vand.u32 $0xFFFFFFE0, v4  }
0x18: {  	v3 =	vor.u32 v3, v4  }
0x19: {  	v4 =	vperm.xlane v3, v0;
	_ =	sdelay $0x1  }
0x1a: {  	v4 =	vadd.s32 v1, v4;
	_ =	sdelay $0x1  }
0x1b: {  	v3 =	vperm.xlane v3, v2;
	_ =	sdelay $0x1  }
0x1c: {  	s11 =	simm.s32 $0x80;
	v3 =	vadd.s32 v1, v3  }
0x1d: {  	[tilespmem:s11], [sflag:$0x1] =	stream.indirect_vreg.gather [hbm4b:s1+s0], $0x80, v4, vm0, $0xb8;
	[tilespmem:$0x9080] =	vst v63  }
0x1e: {  	s12 =	simm.s32 $0x880  }
0x1f: {  	[tilespmem:s12], [sflag:$0x1] =	stream.indirect_vreg.gather [hbm4b:s7+s0], $0x80, v4, vm0, $0xb8;
	[tilespmem:$0x9080] =	vst v63  }
0x20: {  	s13 =	simm.s32 $0x1080  }
0x21: {  	[tilespmem:s13], [sflag:$0x1] =	stream.indirect_vreg.gather [hbm4b:s1+s0], $0x80, v3, vm0, $0xb8;
	[tilespmem:$0x9080] =	vst v63  }
0x22: {  	s14 =	simm.s32 $0x1880  }
0x23: {  	[tilespmem:s14], [sflag:$0x1] =	stream.indirect_vreg.gather [hbm4b:s7+s0], $0x80, v3, vm0, $0xb8;
	[tilespmem:$0x9080] =	vst v63  }
0x24: {  	v3 =	vld [tilespmem:$0x10];
	_ =	sdelay $0x4  }
0x25: {  	v61 =	vshll.u32 v3, $0x2  }
0x26: {  	v3 =	vand.u32 $0x7, v3;
	v4 =	vand.u32 $0xFFFFFFE0, v61  }
0x27: {  	v3 =	vor.u32 v3, v4  }
0x28: {  	v4 =	vperm.xlane v3, v0;
	_ =	sdelay $0x1  }
0x29: {  	v4 =	vadd.s32 v1, v4;
	_ =	sdelay $0x1  }
0x2a: {  	v3 =	vperm.xlane v3, v2;
	_ =	sdelay $0x1  }
0x2b: {  	s29 =	simm.s32 $0x2080;
	v3 =	vadd.s32 v1, v3  }
0x2c: {  	[tilespmem:s29], [sflag:$0x1] =	stream.indirect_vreg.gather [hbm4b:s1+s0], $0x80, v4, vm0, $0xb8;
	[tilespmem:$0x9080] =	vst v63  }
0x2d: {  	_ = 	snop  }
0x2e: {  	[tilespmem:s15], [sflag:$0x1] =	stream.indirect_vreg.gather [hbm4b:s7+s0], $0x80, v4, vm0, $0xb8;
	[tilespmem:$0x9080] =	vst v63  }
0x2f: {  	_ = 	snop  }
0x30: {  	[tilespmem:s16], [sflag:$0x1] =	stream.indirect_vreg.gather [hbm4b:s1+s0], $0x80, v3, vm0, $0xb8;
	[tilespmem:$0x9080] =	vst v63  }
0x31: {  	_ = 	snop  }
0x32: {  	[tilespmem:s17], [sflag:$0x1] =	stream.indirect_vreg.gather [hbm4b:s7+s0], $0x80, v3, vm0, $0xb8;
	[tilespmem:$0x9080] =	vst v63  }
0x33: {  	v3 =	vld [tilespmem:$0x20];
	_ =	sdelay $0x4  }
0x34: {  	v62 =	vshll.u32 v3, $0x2  }
0x35: {  	v3 =	vand.u32 $0x7, v3;
	v4 =	vand.u32 $0xFFFFFFE0, v62  }
0x36: {  	v3 =	vor.u32 v3, v4  }
0x37: {  	v4 =	vperm.xlane v3, v0;
	_ =	sdelay $0x1  }
0x38: {  	v4 =	vadd.s32 v1, v4;
	_ =	sdelay $0x1  }
0x39: {  	v3 =	vperm.xlane v3, v2;
	_ =	sdelay $0x1  }
0x3a: {  	v3 =	vadd.s32 v1, v3  }
0x3b: {  	[tilespmem:s18], [sflag:$0x1] =	stream.indirect_vreg.gather [hbm4b:s1+s0], $0x80, v4, vm0, $0xb8;
	[tilespmem:$0x9080] =	vst v63  }
0x3c: {  	_ = 	snop  }
0x3d: {  	[tilespmem:s19], [sflag:$0x1] =	stream.indirect_vreg.gather [hbm4b:s7+s0], $0x80, v4, vm0, $0xb8;
	[tilespmem:$0x9080] =	vst v63  }
0x3e: {  	_ = 	snop  }
0x3f: {  	[tilespmem:s20], [sflag:$0x1] =	stream.indirect_vreg.gather [hbm4b:s1+s0], $0x80, v3, vm0, $0xb8;
	[tilespmem:$0x9080] =	vst v63  }
0x40: {  	_ = 	snop  }
0x41: {  	[tilespmem:s21], [sflag:$0x1] =	stream.indirect_vreg.gather [hbm4b:s7+s0], $0x80, v3, vm0, $0xb8;
	[tilespmem:$0x9080] =	vst v63  }
0x42: {  	v3 =	vld [tilespmem:$0x30];
	_ =	sdelay $0x4  }
0x43: {  	v63 =	vshll.u32 v3, $0x2  }
0x44: {  	v3 =	vand.u32 $0x7, v3;
	v4 =	vand.u32 $0xFFFFFFE0, v63  }
0x45: {  	v3 =	vor.u32 v3, v4  }
0x46: {  	v4 =	vperm.xlane v3, v0;
	_ =	sdelay $0x1  }
0x47: {  	v4 =	vadd.s32 v1, v4;
	_ =	sdelay $0x1  }
0x48: {  	v3 =	vperm.xlane v3, v2;
	_ =	sdelay $0x1  }
0x49: {  	v3 =	vadd.s32 v1, v3  }
0x4a: {  	[tilespmem:s22], [sflag:$0x1] =	stream.indirect_vreg.gather [hbm4b:s1+s0], $0x80, v4, vm0, $0xb8;
	[tilespmem:$0x9080] =	vst v63  }
0x4b: {  	_ = 	snop  }
0x4c: {  	[tilespmem:s23], [sflag:$0x1] =	stream.indirect_vreg.gather [hbm4b:s7+s0], $0x80, v4, vm0, $0xb8;
	[tilespmem:$0x9080] =	vst v63  }
0x4d: {  	_ = 	snop  }
0x4e: {  	[tilespmem:s24], [sflag:$0x1] =	stream.indirect_vreg.gather [hbm4b:s1+s0], $0x80, v3, vm0, $0xb8;
	[tilespmem:$0x9080] =	vst v63  }
0x4f: {  	_ = 	snop  }
0x50: {  	[tilespmem:s25], [sflag:$0x1] =	stream.indirect_vreg.gather [hbm4b:s7+s0], $0x80, v3, vm0, $0xb8;
	[tilespmem:$0x9080] =	vst v63  }
0x51: {  	_ =	swait.ge [sflag:s26], $0x8000  }
0x52: {  	[sflag:s26] =	ssyncset.done $0x0  }
0x53: {  	s4 =	simm.s32 $0x0;
	[sflag:s26] =	ssyncadd.s32 $0xFFFF8000  }
.LBB2_3:
0x54: {  	s2 =	sshll.u32 s4, $0xC  }
0x55: {  	s2 =	sand.u32 $0x3FFFF000, s2  }
0x56: {  	s10 =	sand.u32 $0xC00, s0;
	s8 =	sor.u32 $0x80, s2  }
0x57: {  	s13 =	sand.u32 $0x70, s0;
	s2 =	sadd.s32 s10, s8  }
0x58: {  	s2 =	sadd.s32 s13, s2  }
0x59: {  	v3 =	vld [tilespmem:s2+$0x80]  }
0x5a: {  	v4 =	vld [tilespmem:s2+$0x0];
	_ =	sdelay $0x1  }
0x5b: {  	v5 =	vld [tilespmem:s2+$0x100];
	_ =	sdelay $0x1  }
0x5c: {  	v6 =	vld [tilespmem:s2+$0x180]  }
0x5d: {  	v3 =	vadd.f32 v3, v4  }
0x5e: {  	v4 =	vld [tilespmem:s2+$0x200]  }
0x5f: {  	v3 =	vadd.f32 v5, v3  }
0x60: {  	v5 =	vld [tilespmem:s2+$0x280]  }
0x61: {  	v3 =	vadd.f32 v6, v3  }
0x62: {  	v63 =	vld [tilespmem:s2+$0x300]  }
0x63: {  	v3 =	vadd.f32 v4, v3  }
0x64: {  	v4 =	vld [tilespmem:s2+$0x380]  }
0x65: {  	v3 =	vadd.f32 v5, v3;
	_ =	sdelay $0x1  }
0x66: {  	v3 =	vadd.f32 v63, v3  }
0x67: {  	s12 =	sshll.u32 s4, $0x7  }
0x68: {  	s2 =	sand.u32 $0x3FFFFF80, s12;
	v3 =	vadd.f32 v4, v3  }
0x69: {  	s14 =	simm.s32 $0x10;
	s3 =	simm.s32 $0x80;
	s29 =	sadd.s32 $0x8080, s2  }
0x6a: {  	s11 =	sand.u32 $0x70, s14;
	s2 =	sand.u32 $0xC00, s3;
	s14 =	sadd.s32 s10, s29;
	v3 =	vmul.f32 $1.250000000e-01, v3  }
0x6b: {  	s12 =	sadd.s32 s2, s8;
	s10 =	simm.s32 $0x20;
	s13 =	sadd.s32 s13, s14  }
.LBB2_4:
0x6c: {  	p0 =	sne.s32 s10, $0x1F0;
	s12 =	sadd.s32 s11, s12;
	[tilespmem:s13+$0x0] =	vst v3;
	s13 =	smov.u32 s11  }
0x6d: {  	v3 =	vld [tilespmem:s12+$0x80]  }
0x6e: {  	v4 =	vld [tilespmem:s12+$0x0];
	_ =	sdelay $0x1  }
0x6f: {  	v5 =	vld [tilespmem:s12+$0x100];
	_ =	sdelay $0x1  }
0x70: {  	v6 =	vld [tilespmem:s12+$0x180]  }
0x71: {  	v3 =	vadd.f32 v3, v4  }
0x72: {  	v4 =	vld [tilespmem:s12+$0x200]  }
0x73: {  	v3 =	vadd.f32 v5, v3  }
0x74: {  	v5 =	vld [tilespmem:s12+$0x280]  }
0x75: {  	v3 =	vadd.f32 v6, v3  }
0x76: {  	v6 =	vld [tilespmem:s12+$0x300]  }
0x77: {  	v3 =	vadd.f32 v4, v3  }
0x78: {  	v4 =	vld [tilespmem:s12+$0x380]  }
0x79: {  	v3 =	vadd.f32 v5, v3;
	_ =	sdelay $0x1  }
0x7a: {  	v3 =	vadd.f32 v6, v3  }
.Ltmp0:
0x7b: {  	(pc) =	sbr.rel @p0 .LBB2_4-.Ltmp0, $4  }
0x7c: {  	v3 =	vadd.f32 v4, v3  }
0x7d: {  	s3 =	sadd.s32 $0x80, s3  }
0x7e: {  	s11 =	sand.u32 $0x70, s10;
	s14 =	sadd.s32 s2, s29;
	s2 =	sand.u32 $0xC00, s3;
	v3 =	vmul.f32 $1.250000000e-01, v3  }
0x7f: {  	s10 =	sadd.s32 $0x10, s10;
	s13 =	sadd.s32 s13, s14;
	s12 =	sadd.s32 s2, s8  }
0x80: {  	s3 =	sadd.s32 s11, s12;
	[tilespmem:s13+$0x0] =	vst v3  }
0x81: {  	v3 =	vld [tilespmem:s3+$0x80]  }
0x82: {  	v4 =	vld [tilespmem:s3+$0x0];
	_ =	sdelay $0x1  }
0x83: {  	v5 =	vld [tilespmem:s3+$0x100];
	_ =	sdelay $0x1  }
0x84: {  	v6 =	vld [tilespmem:s3+$0x180]  }
0x85: {  	v3 =	vadd.f32 v3, v4  }
0x86: {  	v60 =	vld [tilespmem:s3+$0x200]  }
0x87: {  	v3 =	vadd.f32 v5, v3  }
0x88: {  	v61 =	vld [tilespmem:s3+$0x280]  }
0x89: {  	v3 =	vadd.f32 v6, v3  }
0x8a: {  	v62 =	vld [tilespmem:s3+$0x300]  }
0x8b: {  	v3 =	vadd.f32 v60, v3  }
0x8c: {  	v63 =	vld [tilespmem:s3+$0x380]  }
0x8d: {  	v3 =	vadd.f32 v61, v3;
	_ =	sdelay $0x1  }
0x8e: {  	s4 =	sadd.s32 $0x1, s4;
	v3 =	vadd.f32 v62, v3  }
0x8f: {  	p0 =	sne.s32 s4, $0x8  }
.Ltmp1:
0x90: {  	v3 =	vadd.f32 v63, v3;
	(pc) =	sbr.rel @p0 .LBB2_3-.Ltmp1, $4  }
0x91: {  	_ = 	snop  }
0x92: {  	s2 =	sadd.s32 s2, s29;
	v3 =	vmul.f32 $1.250000000e-01, v3  }
0x93: {  	s2 =	sadd.s32 s11, s2  }
0x94: {  	[tilespmem:s2+$0x0] =	vst v3  }
0x95: {  	s30 =	sadd.s32 $0x1, s30  }
0x96: {  	s0 =	sshll.u32 s31, $0x6;
	p0 =	sne.s32 s30, $0x10  }
.Ltmp2:
0x97: {  	s2 =	simm.s32 $0x0;
	s0 =	sadd.s32 s5, s0;
	(pc) =	sbr.rel @p0 .LBB2_2-.Ltmp2, $4  }
0x98: {  	[hbm4b:s0+s2] =	stream.linear.scatter [tilespmem:s28], [sflag:$0x2], $0x1000, $0x38;
	[tilespmem:$0x9080] =	vst v63  }
0x99: {  	_ =	swait.ge [sflag:s9], $0x1000  }
0x9a: {  	[sflag:s9] =	ssyncset.done $0x0  }
0x9b: {  	[sflag:s9] =	ssyncadd.s32 $0xFFFFF000  }
0x9c: {  	s2 =	rddreg [dreg:$0x5]  }
0x9d: {  	s0 =	rddreg [dreg:$0x4];
	s2 =	sadd.s32 $0x1, s2  }
0x9e: {  	p0 =	sne.s32 s2, s0  }
.Ltmp3:
0x9f: {  	_ = 	snop;
	(pc) =	sbr.rel @p0 .LBB2_1-.Ltmp3, $1  }
0xa0: {  	_ =	sdelay $0x3  }
0xa1: {  	_ =	sfence.sel $0x180000  }
0xa2: {  	[bflag:$0x0] =	sbarrier.arrive $0xFFFF  }
0xa3: {  	_ =	strace $0x90000047  }
0xa4: {  	s0 =	stileid.u32;
	[bflag:$0x2] =	sbarrier.arrive $0xFFFF  }
0xa5: {  	p0 =	sne.s32 s0, $0x0;
	s0 =	rddreg [dreg:$0x3]  }
0xa6: {  	s0 =	sadd.s32 @!p0 $0x100000, s0  }
0xa7: {  	[sflag:s0] =	ssyncadd.tile.s32 @!p0 $0x1;
	_ =	shalt  }
.Lfunc_end2:
_tile_overlayer_lowered:
.L_overlay_start_2:
0xa8: {  	(tag) =	ssettag $0x2  }
0xa9: {  	s0 =	rddreg [dreg:$0x0];
	s2 =	stileid.u32  }
0xaa: {  	s1 =	rddreg [dreg:$0x1];
	p0 =	sne.s32 s2, $0x0  }
0xab: {  	s3 =	rddreg [dreg:$0x2];
	[bflag:$0x3] =	sbarrier.arrive $0xFFFF;
	s2 =	simm.s32 @!p0 $0x1C02  }
0xac: {  	[timem:s3], [sflag:s2] =	dma.local @!p0 [hbm:s0], s1  }
0xad: {  	s0 =	simm.s32 @!p0 $0x2  }
0xae: {  	_ =	swait.ge @!p0 [sflag:s0], s1  }
0xaf: {  	s1 =	ssub.s32 @!p0 $0x0, s1;
	[sflag:s0] =	ssyncset.done @!p0 $0x0  }
0xb0: {  	[sflag:s0] =	ssyncadd.s32 @!p0 s1  }
0xb1: {  	[bflag:$0x3] =	sbarrier.arrive $0xFFFF  }
0xb2: {  	_ =	shalt  }

// kernel: kernel.7.cloned.1.call-start
scs
__scs_entry_jumppad:
0x0: {  	(pc) =	sbr.rel $0x88, $3  }
0x1: {  	(tag) =	ssettag $0x0;
	lr =	simm.s32 $0x1  }
0x2: {  	[smem:$0x3F9E] =	sst lr;
	_ =	strace $0xD0000000  }
0x3: {  	_ = 	snop  }
0x4: {  	_ = 	snop  }
0x5: {  	_ = 	snop  }
0x6: {  	_ = 	snop  }
0x7: {  	_ = 	snop  }
__scs_overlays_trampoline_lowered:
0x8: {  	[smem:$0x3FAD] =	sst s0  }
0x9: {  	[smem:$0x3FAE] =	sst s1  }
0xa: {  	[smem:$0x3FAF] =	sst s2  }
0xb: {  	[smem:$0x3FB0] =	sst s3  }
0xc: {  	[smem:$0x3FB1] =	sst s4  }
0xd: {  	[smem:$0x3FB2] =	sst s5  }
0xe: {  	[smem:$0x3FB3] =	sst s6  }
0xf: {  	[smem:$0x3FB4] =	sst s7  }
0x10: {  	[smem:$0x3FB5] =	sst s8  }
0x11: {  	[smem:$0x3FB6] =	sst s9;
	s0 =	simm.s32 @!p0 $0x0  }
0x12: {  	s1 =	sld [smem:$0x3F9C];
	s0 =	simm.s32 @p0 $0x1  }
0x13: {  	[smem:$0x3FB7] =	sst s0;
	s0 =	simm.s32 @!p1 $0x0  }
0x14: {  	s2 =	sld [smem:$0x3F9B];
	s0 =	simm.s32 @p1 $0x1  }
0x15: {  	[smem:$0x3FB8] =	sst s0;
	s0 =	simm.s32 @!p2 $0x0  }
0x16: {  	s3 =	sld [smem:$0x3FDB];
	s0 =	simm.s32 @p2 $0x1  }
0x17: {  	s4 =	simm.s32 $0x1BF5;
	[smem:$0x3FBA] =	sst s0  }
0x18: {  	s0 =	sld [smem:$0x3F9D];
	_ =	swait.ge [sflag:s4], $0x0  }
0x19: {  	s7 =	sld [smem:$0x3F9E]  }
0x1a: {  	s8 =	sadd.s32 $0xFFFFE003, lr  }
0x1b: {  	s9 =	sadd.s32 $0xFFFFFEF7, lr;
	s5 =	simm.s32 $0xFFFFFFFF;
	p2 =	slt.u32 s8, $0xFFFFF086  }
0x1c: {  	p1 =	slt.u32 s9, $0xF7A;
	s5 =	simm.s32 @!p2 $0x0  }
0x1d: {  	s5 =	simm.s32 @p1 $0x1;
	p0 =	seq.s32 s7, s2  }
0x1e: {  	s7 =	smul.u32 @!p0 $0xF7A, s2;
	p2 =	seq.s32 @!p0 s5, $0x0  }
0x1f: {  	s9 =	smul.u32 $0xF7A, s1;
	s8 =	simm.s32 @!p0 $0x1BF5;
	p2 =	por !p2, p0  }
0x20: {  	[sflag:s8] =	ssyncset.s32 @!p0 $0xFFFFF086;
	s6 =	sadd.s32 @!p0 s3, s7;
	s7 =	simm.s32 @!p0 $0x108  }
0x21: {  	s3 =	sadd.s32 s3, s9;
	s6 =	sadd.s32 @!p0 $0x88, s6;
	s7 =	simm.s32 @p2 $0x1082  }
0x22: {  	[simem:s7], [sflag:s8] =	dma.local @!p0 [hbm:s6], $0xF7A  }
0x23: {  	s9 =	sor.u32 $0xD0000000, s2;
	s6 =	simm.s32 $0x108;
	_ =	swait.ge @!p0 [sflag:s8], $0x0  }
0x24: {  	s3 =	sadd.s32 $0x88, s3;
	s6 =	simm.s32 @!p1 $0x1082;
	[sflag:s4] =	ssyncset.s32 $0xFFFFF086  }
0x25: {  	[simem:s6], [sflag:s4] =	dma.local [hbm:s3], $0xF7A  }
0x26: {  	[smem:$0x3F9E] =	sst s1;
	(tag) =	ssettag s2;
	_ =	strace s9  }
0x27: {  	s1 =	sld [smem:$0x3FAE]  }
0x28: {  	s2 =	sld [smem:$0x3FAF]  }
0x29: {  	s4 =	sld [smem:$0x3FB1]  }
0x2a: {  	p0 =	seq.s32 s5, $0x0;
	s5 =	sld [smem:$0x3FB2]  }
0x2b: {  	s6 =	sld [smem:$0x3FB3]  }
0x2c: {  	s7 =	sld [smem:$0x3FB4]  }
0x2d: {  	s3 =	simm.s32 $0x108;
	s8 =	sld [smem:$0x3FB5]  }
0x2e: {  	s3 =	simm.s32 @!p0 $0x1082;
	s9 =	sld [smem:$0x3FB6]  }
0x2f: {  	lr =	sadd.s32 s0, s3;
	s0 =	sld [smem:$0x3FAD]  }
0x30: {  	s3 =	sld [smem:$0x3FB0]  }
0x31: {  	[smem:$0x3FB9] =	sst s10  }
0x32: {  	s10 =	sld [smem:$0x3FB7];
	_ =	sdelay $0x3  }
0x33: {  	p0 =	seq.s32 s10, $0x1;
	s10 =	sld [smem:$0x3FB9];
	_ =	sdelay $0x3  }
0x34: {  	[smem:$0x3FB9] =	sst s10  }
0x35: {  	s10 =	sld [smem:$0x3FB8];
	_ =	sdelay $0x3  }
0x36: {  	p1 =	seq.s32 s10, $0x1;
	s10 =	sld [smem:$0x3FB9];
	_ =	sdelay $0x3  }
0x37: {  	[smem:$0x3FB9] =	sst s10  }
0x38: {  	s10 =	sld [smem:$0x3FBA]  }
0x39: {  	_ = 	snop;
	(pc) =	sbr.ind lr, $3  }
0x3a: {  	_ = 	snop  }
0x3b: {  	_ = 	snop  }
0x3c: {  	p2 =	seq.s32 s10, $0x1;
	s10 =	sld [smem:$0x3FB9]  }
0x3d: {  	_ =	shalt  }
0x3e: {  	_ =	shalt  }
0x3f: {  	_ =	shalt  }
0x40: {  	_ =	shalt  }
0x41: {  	_ =	shalt  }
0x42: {  	_ =	shalt  }
0x43: {  	_ =	shalt  }
0x44: {  	_ =	shalt  }
0x45: {  	_ =	shalt  }
0x46: {  	_ =	shalt  }
0x47: {  	_ =	shalt  }
0x48: {  	_ =	shalt  }
0x49: {  	_ =	shalt  }
0x4a: {  	_ =	shalt  }
0x4b: {  	_ =	shalt  }
0x4c: {  	_ =	shalt  }
0x4d: {  	_ =	shalt  }
0x4e: {  	_ =	shalt  }
0x4f: {  	_ =	shalt  }
0x50: {  	_ =	shalt  }
0x51: {  	_ =	shalt  }
0x52: {  	_ =	shalt  }
0x53: {  	_ =	shalt  }
0x54: {  	_ =	shalt  }
0x55: {  	_ =	shalt  }
0x56: {  	_ =	shalt  }
0x57: {  	_ =	shalt  }
0x58: {  	_ =	shalt  }
0x59: {  	_ =	shalt  }
0x5a: {  	_ =	shalt  }
0x5b: {  	_ =	shalt  }
0x5c: {  	_ =	shalt  }
0x5d: {  	_ =	shalt  }
0x5e: {  	_ =	shalt  }
0x5f: {  	_ =	shalt  }
0x60: {  	_ =	shalt  }
0x61: {  	_ =	shalt  }
0x62: {  	_ =	shalt  }
0x63: {  	_ =	shalt  }
0x64: {  	_ =	shalt  }
0x65: {  	_ =	shalt  }
0x66: {  	_ =	shalt  }
0x67: {  	_ =	shalt  }
0x68: {  	_ =	shalt  }
0x69: {  	_ =	shalt  }
0x6a: {  	_ =	shalt  }
0x6b: {  	_ =	shalt  }
0x6c: {  	_ =	shalt  }
0x6d: {  	_ =	shalt  }
0x6e: {  	_ =	shalt  }
0x6f: {  	_ =	shalt  }
0x70: {  	_ =	shalt  }
0x71: {  	_ =	shalt  }
0x72: {  	_ =	shalt  }
0x73: {  	_ =	shalt  }
0x74: {  	_ =	shalt  }
0x75: {  	_ =	shalt  }
0x76: {  	_ =	shalt  }
0x77: {  	_ =	shalt  }
0x78: {  	_ =	shalt  }
0x79: {  	_ =	shalt  }
0x7a: {  	_ =	shalt  }
0x7b: {  	_ =	shalt  }
0x7c: {  	_ =	shalt  }
0x7d: {  	_ =	shalt  }
0x7e: {  	_ =	shalt  }
0x7f: {  	_ =	shalt  }
0x80: {  	_ =	shalt  }
0x81: {  	_ =	shalt  }
0x82: {  	_ =	shalt  }
0x83: {  	_ =	shalt  }
0x84: {  	_ =	shalt  }
0x85: {  	_ =	shalt  }
0x86: {  	_ =	shalt  }
0x87: {  	_ =	shalt  }
.Lfunc_end0:
.L_simem_size_0:
called_computation_lowered:
.L_overlay_start_0:
0x88: {  	s2 =	sld [smem:$0x3FD9]  }
0x89: {  	s3 =	sld [smem:$0x3FFE];
	_ =	sdelay $0x1  }
0x8a: {  	s1 =	srdreg.scid  }
0x8b: {  	s0 =	sand.u32 $0x1, s1  }
0x8c: {  	s15 =	sshll.u32 s0, $0xA;
	s2 =	sadd.s32 s3, s2  }
0x8d: {  	s2 =	sadd.s32 s2, s15  }
0x8e: {  	[smem:$0x3FC5] =	sst s2  }
0x8f: {  	_ = 	snop  }
0x90: {  	s16 =	sld [smem:$0x3FD0];
	_ =	sdelay $0x2  }
0x91: {  	s4 =	simm.s32 $0xB;
	s5 =	simm.s32 $0x10;
	s2 =	sld [smem:$0x3FC9]  }
0x92: {  	[smem:s5], [sflag:s4] =	dma.local [hbm:s16], $0x1  }
0x93: {  	_ =	swait.eq [sflag:s4], $0x1  }
0x94: {  	[sflag:s4] =	ssyncset.done $0x0  }
0x95: {  	[sflag:s4] =	ssyncadd.s32 $0xFFFFFFFF  }
0x96: {  	s17 =	sld [smem:$0x10];
	(tm) =	ssettm $0x1  }
0x97: {  	s18 =	sld [smem:$0x3FFB];
	_ =	sdelay $0x3  }
0x98: {  	_ =	strace s18  }
0x99: {  	s3 =	sld [smem:$0x3FFC];
	_ =	sdelay $0x3  }
0x9a: {  	_ =	strace s3  }
0x9b: {  	s3 =	sld [smem:$0x3FFD];
	_ =	sdelay $0x3  }
0x9c: {  	_ =	strace s3  }
0x9d: {  	_ =	strace $0x8FFFFFFF  }
0x9e: {  	s19 =	sld [smem:$0x3FDB];
	_ =	sdelay $0x1  }
0x9f: {  	s20 =	simm.s32 $_scs_section_size  }
0xa0: {  	s6 =	simm.s32 $_size__tile_overlayer_lowered;
	s7 =	simm.s32 $_tile_overlayer_lowered  }
0xa1: {  	s8 =	simm.s32 $0x1BFF;
	s21 =	sshll.u32 s7, $0x1;
	s5 =	sadd.s32 s20, s19  }
0xa2: {  	s22 =	simm.s32 $0x0;
	s6 =	sshll.u32 s6, $0x1;
	s7 =	sadd.s32 s21, s5  }
0xa3: {  	[timem:s22], [sflag:s8] =	dma.local [hbm:s7], s6  }
0xa4: {  	_ =	swait.ge [sflag:s8], s6  }
0xa5: {  	s6 =	ssub.s32 $0x0, s6;
	[sflag:s8] =	ssyncset.done $0x0  }
0xa6: {  	[sflag:s8] =	ssyncadd.s32 s6;
	_ =	sdelay $0x1  }
0xa7: {  	s23 =	simm.s32 $0x1B8B  }
0xa8: {  	_ =	swait.ge [sflag:s23], $0x1  }
0xa9: {  	[sflag:s23] =	ssyncset.done $0x0  }
0xaa: {  	[sflag:s23] =	ssyncadd.s32 $0xFFFFFFFF  }
0xab: {  	s6 =	sld [smem:$0x0]  }
0xac: {  	s7 =	sand.u32 $0xFFFFFFFE, s1  }
0xad: {  	p0 =	sne.s32 s1, s7  }
0xae: {  	s7 =	sshll.u32 @p0 s7, $0xE  }
0xaf: {  	s7 =	sadd.s32 @p0 $0x11B8D, s7;
	s8 =	sshll.u32 @p0 s6, $0x11  }
0xb0: {  	s7 =	sor.u32 @p0 s8, s7  }
0xb1: {  	[sflag:s7] =	ssyncadd.remote.s32 @p0 $0x1;
	_ =	sdelay $0x1  }
0xb2: {  	s7 =	simm.s32 @p0 $0x1B8D  }
0xb3: {  	_ =	swait.eq @p0 [sflag:s7], $0x1  }
0xb4: {  	[sflag:s7] =	ssyncadd.s32 @p0 $0xFFFFFFFF  }
0xb5: {  	s8 =	sshll.u32 @!p0 s1, $0xE  }
0xb6: {  	s8 =	sor.u32 @!p0 $0x4000, s8;
	s7 =	simm.s32 @!p0 $0x1B8D  }
0xb7: {  	s6 =	sshll.u32 @!p0 s6, $0x11;
	s8 =	sadd.s32 @!p0 $0x11B8D, s8;
	_ =	swait.eq @!p0 [sflag:s7], $0x1  }
0xb8: {  	s6 =	sor.u32 @!p0 s6, s8;
	[sflag:s7] =	ssyncadd.s32 @!p0 $0xFFFFFFFF  }
0xb9: {  	s25 =	simm.s32 $0x1B8E;
	s24 =	sld [smem:$0x3FFE];
	[sflag:s6] =	ssyncadd.remote.s32 @!p0 $0x1  }
0xba: {  	s26 =	simm.s32 $execute0_lowered;
	[smem:$0x3FD2] =	sst s25  }
0xbb: {  	s7 =	sshll.u32 s26, $0x1;
	_ =	strace $0x80000049;
	[dreg:$0x1] =	wrdreg $0xFFFFFFFF  }
0xbc: {  	s28 =	simm.s32 $_size_execute0_lowered;
	s5 =	sadd.s32 s5, s7;
	[dreg:$0x0] =	wrdreg $0x0  }
0xbd: {  	s7 =	sshll.u32 s28, $0x1;
	[dreg:$0x2] =	wrdreg s5  }
0xbe: {  	[dreg:$0x3] =	wrdreg s7  }
0xbf: {  	[dreg:$0x4] =	wrdreg $0xC0  }
0xc0: {  	_ =	task [dreg:s22], $0x5FFFF  }
0xc1: {  	[dreg:$0x1] =	wrdreg $0xFFFFFFFF  }
0xc2: {  	[dreg:$0x0] =	wrdreg $0x60  }
0xc3: {  	[dreg:$0x2] =	wrdreg s2  }
0xc4: {  	[dreg:$0x3] =	wrdreg s24  }
0xc5: {  	[dreg:$0x4] =	wrdreg s17  }
0xc6: {  	[dreg:$0x5] =	wrdreg $0x9  }
0xc7: {  	_ =	task.clear_ibuf [dreg:s22], $0x6FFFF;
	_ =	strace $0x90000049  }
0xc8: {  	s29 =	simm.s32 $0x9;
	_ =	strace $0x8000004B  }
0xc9: {  	_ =	swait.ge [sflag:s29], $0x1  }
0xca: {  	[sflag:s29] =	ssyncadd.s32 $0xFFFFFFFF  }
0xcb: {  	_ =	strace $0x9000004B  }
0xcc: {  	_ =	sfence  }
0xcd: {  	s30 =	sld [smem:$0x0];
	_ =	sdelay $0x2  }
0xce: {  	s31 =	sshll.u32 s1, $0xD;
	s1 =	sshrl.u32 s1, $0x2  }
0xcf: {  	s4 =	sand.u32 $0x4000, s31;
	s1 =	sadd.s32 s1, s30  }
0xd0: {  	s0 =	sor.u32 s4, s0;
	s1 =	sshll.u32 s1, $0x11  }
0xd1: {  	s0 =	sor.u32 s1, s0  }
0xd2: {  	s0 =	sadd.s32 $0x8F2B, s0  }
0xd3: {  	[sflag:s0] =	ssyncadd.remote.s32 $0x1  }
0xd4: {  	_ =	sfence.sel $0xFFFF  }
0xd5: {  	[dreg:$0x0] =	wrdreg $0xFFFFFFFF;
	(pc) =	sbr.abs _section_cstart, $3  }
0xd6: {  	[dreg:$0x1] =	wrdreg $0xFFFFFFFF  }
0xd7: {  	_ =	task.clear_ibuf [dreg:s22], $0x2FFFF;
	_ =	strace $0x9FFFFFFF  }
0xd8: {  	(tm) =	ssettm $0x7FFFFFFF  }
0xd9: {  	_ =	shalt  }
tec
execute0_lowered:
.L_overlay_start_1:
0x0: {  	(tag) =	ssettag $0x1  }
0x1: {  	s1 =	rddreg [dreg:$0x0]  }
0x2: {  	s0 =	rddreg [dreg:$0x1];
	s2 =	simm.s32 $0x0  }
0x3: {  	s30 =	srdreg.scid;
	s4 =	stileid.u32;
	s9 =	simm.s32 $0x2  }
0x4: {  	s15 =	simm.s32 $0x2880;
	s16 =	simm.s32 $0x3080;
	s17 =	simm.s32 $0x3880  }
0x5: {  	s18 =	simm.s32 $0x4080;
	s19 =	simm.s32 $0x4880;
	s20 =	simm.s32 $0x5080  }
0x6: {  	s21 =	simm.s32 $0x5880;
	s22 =	simm.s32 $0x6080;
	s23 =	simm.s32 $0x6880  }
0x7: {  	s24 =	simm.s32 $0x7080;
	[smem:$0x7FF] =	sst s2;
	s2 =	sand.u32 $0x1, s30  }
0x8: {  	s25 =	simm.s32 $0x7880;
	s26 =	simm.s32 $0x1;
	s31 =	ssub.s32 $0x2, s2  }
0x9: {  	s28 =	simm.s32 $0x8080;
	s5 =	sadd.s32 $0x42400, s0;
	s3 =	sshrl.u32 s31, $0x1  }
0xa: {  	v2 =	vlaneseq.u32;
	s4 =	sshll.u32 s4, $0x8;
	s7 =	sadd.s32 $0x100, s1;
	s0 =	ssub.s32 s31, s3  }
0xb: {  	vm0 =	vmmov $0xffff;
	v1 =	vshrl.u32 v2, $0x3;
	_ =	strace $0x8000004A;
	s2 =	sshll.u32 s2, $0x7;
	s0 =	smax.u32 s0, $0x1  }
0xc: {  	v0 =	vand.u32 $0x7, v2;
	v2 =	vor.u32 $0x8, v2;
	v1 =	vmul.u32 $0x8, v1;
	s6 =	sor.u32 s2, s4;
	s2 =	simm.s32 $0x0;
	[dreg:$0x4] =	wrdreg s0  }
.LBB2_1:
0xd: {  	[dreg:$0x5] =	wrdreg s2;
	s30 =	simm.s32 $0x0  }
.LBB2_2:
0xe: {  	s0 =	sshll.u32 s30, $0x3  }
0xf: {  	s31 =	sadd.s32 s6, s0  }
0x10: {  	s0 =	simm.s32 $0x0;
	s2 =	sadd.s32 s5, s31  }
0x11: {  	[tilespmem:s0], [sflag:$0x2] =	stream.linear.gather [hbm4b:s2+s0], $0x40, $0x38;
	[tilespmem:$0x9080] =	vst v63  }
0x12: {  	_ =	swait.ge [sflag:s9], $0x40  }
0x13: {  	[sflag:s9] =	ssyncset.done $0x0  }
0x14: {  	[sflag:s9] =	ssyncadd.s32 $0xFFFFFFC0  }
0x15: {  	v3 =	vld [tilespmem:$0x0];
	_ =	sdelay $0x4  }
0x16: {  	v4 =	vshll.u32 v3, $0x2  }
0x17: {  	v3 =	vand.u32 $0x7, v3;
	v4 =	vand.u32 $0xFFFFFFE0, v4  }
0x18: {  	v3 =	vor.u32 v3, v4  }
0x19: {  	v4 =	vperm.xlane v3, v0;
	_ =	sdelay $0x1  }
0x1a: {  	v4 =	vadd.s32 v1, v4;
	_ =	sdelay $0x1  }
0x1b: {  	v3 =	vperm.xlane v3, v2;
	_ =	sdelay $0x1  }
0x1c: {  	s11 =	simm.s32 $0x80;
	v3 =	vadd.s32 v1, v3  }
0x1d: {  	[tilespmem:s11], [sflag:$0x1] =	stream.indirect_vreg.gather [hbm4b:s1+s0], $0x80, v4, vm0, $0xb8;
	[tilespmem:$0x9080] =	vst v63  }
0x1e: {  	s12 =	simm.s32 $0x880  }
0x1f: {  	[tilespmem:s12], [sflag:$0x1] =	stream.indirect_vreg.gather [hbm4b:s7+s0], $0x80, v4, vm0, $0xb8;
	[tilespmem:$0x9080] =	vst v63  }
0x20: {  	s13 =	simm.s32 $0x1080  }
0x21: {  	[tilespmem:s13], [sflag:$0x1] =	stream.indirect_vreg.gather [hbm4b:s1+s0], $0x80, v3, vm0, $0xb8;
	[tilespmem:$0x9080] =	vst v63  }
0x22: {  	s14 =	simm.s32 $0x1880  }
0x23: {  	[tilespmem:s14], [sflag:$0x1] =	stream.indirect_vreg.gather [hbm4b:s7+s0], $0x80, v3, vm0, $0xb8;
	[tilespmem:$0x9080] =	vst v63  }
0x24: {  	v3 =	vld [tilespmem:$0x10];
	_ =	sdelay $0x4  }
0x25: {  	v61 =	vshll.u32 v3, $0x2  }
0x26: {  	v3 =	vand.u32 $0x7, v3;
	v4 =	vand.u32 $0xFFFFFFE0, v61  }
0x27: {  	v3 =	vor.u32 v3, v4  }
0x28: {  	v4 =	vperm.xlane v3, v0;
	_ =	sdelay $0x1  }
0x29: {  	v4 =	vadd.s32 v1, v4;
	_ =	sdelay $0x1  }
0x2a: {  	v3 =	vperm.xlane v3, v2;
	_ =	sdelay $0x1  }
0x2b: {  	s29 =	simm.s32 $0x2080;
	v3 =	vadd.s32 v1, v3  }
0x2c: {  	[tilespmem:s29], [sflag:$0x1] =	stream.indirect_vreg.gather [hbm4b:s1+s0], $0x80, v4, vm0, $0xb8;
	[tilespmem:$0x9080] =	vst v63  }
0x2d: {  	_ = 	snop  }
0x2e: {  	[tilespmem:s15], [sflag:$0x1] =	stream.indirect_vreg.gather [hbm4b:s7+s0], $0x80, v4, vm0, $0xb8;
	[tilespmem:$0x9080] =	vst v63  }
0x2f: {  	_ = 	snop  }
0x30: {  	[tilespmem:s16], [sflag:$0x1] =	stream.indirect_vreg.gather [hbm4b:s1+s0], $0x80, v3, vm0, $0xb8;
	[tilespmem:$0x9080] =	vst v63  }
0x31: {  	_ = 	snop  }
0x32: {  	[tilespmem:s17], [sflag:$0x1] =	stream.indirect_vreg.gather [hbm4b:s7+s0], $0x80, v3, vm0, $0xb8;
	[tilespmem:$0x9080] =	vst v63  }
0x33: {  	v3 =	vld [tilespmem:$0x20];
	_ =	sdelay $0x4  }
0x34: {  	v62 =	vshll.u32 v3, $0x2  }
0x35: {  	v3 =	vand.u32 $0x7, v3;
	v4 =	vand.u32 $0xFFFFFFE0, v62  }
0x36: {  	v3 =	vor.u32 v3, v4  }
0x37: {  	v4 =	vperm.xlane v3, v0;
	_ =	sdelay $0x1  }
0x38: {  	v4 =	vadd.s32 v1, v4;
	_ =	sdelay $0x1  }
0x39: {  	v3 =	vperm.xlane v3, v2;
	_ =	sdelay $0x1  }
0x3a: {  	v3 =	vadd.s32 v1, v3  }
0x3b: {  	[tilespmem:s18], [sflag:$0x1] =	stream.indirect_vreg.gather [hbm4b:s1+s0], $0x80, v4, vm0, $0xb8;
	[tilespmem:$0x9080] =	vst v63  }
0x3c: {  	_ = 	snop  }
0x3d: {  	[tilespmem:s19], [sflag:$0x1] =	stream.indirect_vreg.gather [hbm4b:s7+s0], $0x80, v4, vm0, $0xb8;
	[tilespmem:$0x9080] =	vst v63  }
0x3e: {  	_ = 	snop  }
0x3f: {  	[tilespmem:s20], [sflag:$0x1] =	stream.indirect_vreg.gather [hbm4b:s1+s0], $0x80, v3, vm0, $0xb8;
	[tilespmem:$0x9080] =	vst v63  }
0x40: {  	_ = 	snop  }
0x41: {  	[tilespmem:s21], [sflag:$0x1] =	stream.indirect_vreg.gather [hbm4b:s7+s0], $0x80, v3, vm0, $0xb8;
	[tilespmem:$0x9080] =	vst v63  }
0x42: {  	v3 =	vld [tilespmem:$0x30];
	_ =	sdelay $0x4  }
0x43: {  	v63 =	vshll.u32 v3, $0x2  }
0x44: {  	v3 =	vand.u32 $0x7, v3;
	v4 =	vand.u32 $0xFFFFFFE0, v63  }
0x45: {  	v3 =	vor.u32 v3, v4  }
0x46: {  	v4 =	vperm.xlane v3, v0;
	_ =	sdelay $0x1  }
0x47: {  	v4 =	vadd.s32 v1, v4;
	_ =	sdelay $0x1  }
0x48: {  	v3 =	vperm.xlane v3, v2;
	_ =	sdelay $0x1  }
0x49: {  	v3 =	vadd.s32 v1, v3  }
0x4a: {  	[tilespmem:s22], [sflag:$0x1] =	stream.indirect_vreg.gather [hbm4b:s1+s0], $0x80, v4, vm0, $0xb8;
	[tilespmem:$0x9080] =	vst v63  }
0x4b: {  	_ = 	snop  }
0x4c: {  	[tilespmem:s23], [sflag:$0x1] =	stream.indirect_vreg.gather [hbm4b:s7+s0], $0x80, v4, vm0, $0xb8;
	[tilespmem:$0x9080] =	vst v63  }
0x4d: {  	_ = 	snop  }
0x4e: {  	[tilespmem:s24], [sflag:$0x1] =	stream.indirect_vreg.gather [hbm4b:s1+s0], $0x80, v3, vm0, $0xb8;
	[tilespmem:$0x9080] =	vst v63  }
0x4f: {  	_ = 	snop  }
0x50: {  	[tilespmem:s25], [sflag:$0x1] =	stream.indirect_vreg.gather [hbm4b:s7+s0], $0x80, v3, vm0, $0xb8;
	[tilespmem:$0x9080] =	vst v63  }
0x51: {  	_ =	swait.ge [sflag:s26], $0x8000  }
0x52: {  	[sflag:s26] =	ssyncset.done $0x0  }
0x53: {  	s4 =	simm.s32 $0x0;
	[sflag:s26] =	ssyncadd.s32 $0xFFFF8000  }
.LBB2_3:
0x54: {  	s2 =	sshll.u32 s4, $0xC  }
0x55: {  	s2 =	sand.u32 $0x3FFFF000, s2  }
0x56: {  	s10 =	sand.u32 $0xC00, s0;
	s8 =	sor.u32 $0x80, s2  }
0x57: {  	s13 =	sand.u32 $0x70, s0;
	s2 =	sadd.s32 s10, s8  }
0x58: {  	s2 =	sadd.s32 s13, s2  }
0x59: {  	v3 =	vld [tilespmem:s2+$0x80]  }
0x5a: {  	v4 =	vld [tilespmem:s2+$0x0];
	_ =	sdelay $0x1  }
0x5b: {  	v5 =	vld [tilespmem:s2+$0x100];
	_ =	sdelay $0x1  }
0x5c: {  	v6 =	vld [tilespmem:s2+$0x180]  }
0x5d: {  	v3 =	vadd.f32 v3, v4  }
0x5e: {  	v4 =	vld [tilespmem:s2+$0x200]  }
0x5f: {  	v3 =	vadd.f32 v5, v3  }
0x60: {  	v5 =	vld [tilespmem:s2+$0x280]  }
0x61: {  	v3 =	vadd.f32 v6, v3  }
0x62: {  	v63 =	vld [tilespmem:s2+$0x300]  }
0x63: {  	v3 =	vadd.f32 v4, v3  }
0x64: {  	v4 =	vld [tilespmem:s2+$0x380]  }
0x65: {  	v3 =	vadd.f32 v5, v3;
	_ =	sdelay $0x1  }
0x66: {  	v3 =	vadd.f32 v63, v3  }
0x67: {  	s12 =	sshll.u32 s4, $0x7  }
0x68: {  	s2 =	sand.u32 $0x3FFFFF80, s12;
	v3 =	vadd.f32 v4, v3  }
0x69: {  	s14 =	simm.s32 $0x10;
	s3 =	simm.s32 $0x80;
	s29 =	sadd.s32 $0x8080, s2  }
0x6a: {  	s11 =	sand.u32 $0x70, s14;
	s2 =	sand.u32 $0xC00, s3;
	s14 =	sadd.s32 s10, s29;
	v3 =	vmul.f32 $1.250000000e-01, v3  }
0x6b: {  	s12 =	sadd.s32 s2, s8;
	s10 =	simm.s32 $0x20;
	s13 =	sadd.s32 s13, s14  }
.LBB2_4:
0x6c: {  	p0 =	sne.s32 s10, $0x1F0;
	s12 =	sadd.s32 s11, s12;
	[tilespmem:s13+$0x0] =	vst v3;
	s13 =	smov.u32 s11  }
0x6d: {  	v3 =	vld [tilespmem:s12+$0x80]  }
0x6e: {  	v4 =	vld [tilespmem:s12+$0x0];
	_ =	sdelay $0x1  }
0x6f: {  	v5 =	vld [tilespmem:s12+$0x100];
	_ =	sdelay $0x1  }
0x70: {  	v6 =	vld [tilespmem:s12+$0x180]  }
0x71: {  	v3 =	vadd.f32 v3, v4  }
0x72: {  	v4 =	vld [tilespmem:s12+$0x200]  }
0x73: {  	v3 =	vadd.f32 v5, v3  }
0x74: {  	v5 =	vld [tilespmem:s12+$0x280]  }
0x75: {  	v3 =	vadd.f32 v6, v3  }
0x76: {  	v6 =	vld [tilespmem:s12+$0x300]  }
0x77: {  	v3 =	vadd.f32 v4, v3  }
0x78: {  	v4 =	vld [tilespmem:s12+$0x380]  }
0x79: {  	v3 =	vadd.f32 v5, v3;
	_ =	sdelay $0x1  }
0x7a: {  	v3 =	vadd.f32 v6, v3  }
.Ltmp0:
0x7b: {  	(pc) =	sbr.rel @p0 .LBB2_4-.Ltmp0, $4  }
0x7c: {  	v3 =	vadd.f32 v4, v3  }
0x7d: {  	s3 =	sadd.s32 $0x80, s3  }
0x7e: {  	s11 =	sand.u32 $0x70, s10;
	s14 =	sadd.s32 s2, s29;
	s2 =	sand.u32 $0xC00, s3;
	v3 =	vmul.f32 $1.250000000e-01, v3  }
0x7f: {  	s10 =	sadd.s32 $0x10, s10;
	s13 =	sadd.s32 s13, s14;
	s12 =	sadd.s32 s2, s8  }
0x80: {  	s3 =	sadd.s32 s11, s12;
	[tilespmem:s13+$0x0] =	vst v3  }
0x81: {  	v3 =	vld [tilespmem:s3+$0x80]  }
0x82: {  	v4 =	vld [tilespmem:s3+$0x0];
	_ =	sdelay $0x1  }
0x83: {  	v5 =	vld [tilespmem:s3+$0x100];
	_ =	sdelay $0x1  }
0x84: {  	v6 =	vld [tilespmem:s3+$0x180]  }
0x85: {  	v3 =	vadd.f32 v3, v4  }
0x86: {  	v60 =	vld [tilespmem:s3+$0x200]  }
0x87: {  	v3 =	vadd.f32 v5, v3  }
0x88: {  	v61 =	vld [tilespmem:s3+$0x280]  }
0x89: {  	v3 =	vadd.f32 v6, v3  }
0x8a: {  	v62 =	vld [tilespmem:s3+$0x300]  }
0x8b: {  	v3 =	vadd.f32 v60, v3  }
0x8c: {  	v63 =	vld [tilespmem:s3+$0x380]  }
0x8d: {  	v3 =	vadd.f32 v61, v3;
	_ =	sdelay $0x1  }
0x8e: {  	s4 =	sadd.s32 $0x1, s4;
	v3 =	vadd.f32 v62, v3  }
0x8f: {  	p0 =	sne.s32 s4, $0x8  }
.Ltmp1:
0x90: {  	v3 =	vadd.f32 v63, v3;
	(pc) =	sbr.rel @p0 .LBB2_3-.Ltmp1, $4  }
0x91: {  	_ = 	snop  }
0x92: {  	s2 =	sadd.s32 s2, s29;
	v3 =	vmul.f32 $1.250000000e-01, v3  }
0x93: {  	s2 =	sadd.s32 s11, s2  }
0x94: {  	[tilespmem:s2+$0x0] =	vst v3  }
0x95: {  	s30 =	sadd.s32 $0x1, s30  }
0x96: {  	s0 =	sshll.u32 s31, $0x6;
	s2 =	rddreg [dreg:$0x2];
	p0 =	sne.s32 s30, $0x10  }
.Ltmp2:
0x97: {  	s31 =	simm.s32 $0x0;
	s0 =	sadd.s32 s2, s0;
	(pc) =	sbr.rel @p0 .LBB2_2-.Ltmp2, $4  }
0x98: {  	[hbm4b:s0+s31] =	stream.linear.scatter [tilespmem:s28], [sflag:$0x2], $0x1000, $0x38;
	[tilespmem:$0x9080] =	vst v63  }
0x99: {  	_ =	swait.ge [sflag:s9], $0x1000  }
0x9a: {  	[sflag:s9] =	ssyncset.done $0x0  }
0x9b: {  	[sflag:s9] =	ssyncadd.s32 $0xFFFFF000  }
0x9c: {  	s2 =	rddreg [dreg:$0x5]  }
0x9d: {  	s0 =	rddreg [dreg:$0x4];
	s2 =	sadd.s32 $0x1, s2  }
0x9e: {  	p0 =	sne.s32 s2, s0  }
.Ltmp3:
0x9f: {  	_ = 	snop;
	(pc) =	sbr.rel @p0 .LBB2_1-.Ltmp3, $1  }
0xa0: {  	_ =	sdelay $0x3  }
0xa1: {  	_ =	sfence.sel $0x180000  }
0xa2: {  	[bflag:$0x0] =	sbarrier.arrive $0xFFFF  }
0xa3: {  	_ =	strace $0x9000004A  }
0xa4: {  	s0 =	stileid.u32;
	[bflag:$0x2] =	sbarrier.arrive $0xFFFF  }
0xa5: {  	p0 =	sne.s32 s0, $0x0;
	s0 =	rddreg [dreg:$0x3]  }
0xa6: {  	s0 =	sadd.s32 @!p0 $0x100000, s0  }
0xa7: {  	[sflag:s0] =	ssyncadd.tile.s32 @!p0 $0x1;
	_ =	shalt  }
.Lfunc_end2:
_tile_overlayer_lowered:
.L_overlay_start_2:
0xa8: {  	(tag) =	ssettag $0x2  }
0xa9: {  	s0 =	rddreg [dreg:$0x0];
	s2 =	stileid.u32  }
0xaa: {  	s1 =	rddreg [dreg:$0x1];
	p0 =	sne.s32 s2, $0x0  }
0xab: {  	s3 =	rddreg [dreg:$0x2];
	[bflag:$0x3] =	sbarrier.arrive $0xFFFF;
	s2 =	simm.s32 @!p0 $0x1C02  }
0xac: {  	[timem:s3], [sflag:s2] =	dma.local @!p0 [hbm:s0], s1  }
0xad: {  	s0 =	simm.s32 @!p0 $0x2  }
0xae: {  	_ =	swait.ge @!p0 [sflag:s0], s1  }
0xaf: {  	s1 =	ssub.s32 @!p0 $0x0, s1;
	[sflag:s0] =	ssyncset.done @!p0 $0x0  }
0xb0: {  	[sflag:s0] =	ssyncadd.s32 @!p0 s1  }
0xb1: {  	[bflag:$0x3] =	sbarrier.arrive $0xFFFF  }
0xb2: {  	_ =	shalt  }

</sc_bundles>
